<compile_context>
chip_gen: v7x
topology: tpu7x:2x2x1
jax: 0.10.2.dev20260603
libtpu: 0.0.44.dev20260713+nightly
codegen_flags: <defaults>
</compile_context>

<pallas_src>
import functools

import jax
import jax.numpy as jnp
from jax import lax
from jax.experimental import pallas as pl
from jax.experimental.pallas import tpu as pltpu
from jax.experimental.pallas import tpu_sc as plsc

_BLOCK = 4096
_SC_TOKENS = 1024
_SC_CHUNK = 32


def _tc_body(x_ref, h_ref, out_ref):
    p = h_ref.shape[1]
    proj = jax.lax.dot_general(
        h_ref[...], x_ref[...], (((0,), (1,)), ((), ())),
        preferred_element_type=jnp.float32)
    m = jnp.max(proj, axis=0, keepdims=True)
    iota = jax.lax.broadcasted_iota(jnp.int32, (p, 1), 0)
    w = (jnp.int32(1) << (p - 1 - iota)).astype(jnp.float32)
    eq = (proj == m).astype(jnp.float32)
    v = jnp.sum(eq * w, axis=0)
    e = (jax.lax.bitcast_convert_type(v, jnp.int32) >> 23) - 127
    out_ref[...] = (p - 1 - e).astype(jnp.int32)


def _tc_router(x, hyperplanes, nt):
    t, d = x.shape
    p = hyperplanes.shape[1]
    b = _BLOCK if nt % _BLOCK == 0 else 2048
    return pl.pallas_call(
        _tc_body,
        grid=(nt // b,),
        in_specs=[
            pl.BlockSpec((b, d), lambda i: (i, 0)),
            pl.BlockSpec((d, p), lambda i: (0, 0)),
        ],
        out_specs=pl.BlockSpec((b,), lambda i: (i,)),
        out_shape=jax.ShapeDtypeStruct((nt,), jnp.int32),
    )(x, hyperplanes)


def _sc_router(x, hyperplanes, start, s):
    t, d = x.shape
    p = hyperplanes.shape[1]
    info = plsc.get_sparse_core_info()
    nc, ns = info.num_cores, info.num_subcores
    nw = nc * ns
    tpw = s // nw
    chunk = _SC_CHUNK
    mesh = plsc.VectorSubcoreMesh(core_axis_name="c", subcore_axis_name="s")

    @functools.partial(
        pl.kernel, mesh=mesh,
        out_type=jax.ShapeDtypeStruct((s,), jnp.int32),
        compiler_params=pltpu.CompilerParams(needs_layout_passes=False),
        scratch_types=[
            pltpu.VMEM((d * p,), jnp.float32),
            pltpu.VMEM((chunk, d), jnp.float32),
            pltpu.VMEM((chunk,), jnp.int32),
        ],
    )
    def k(x_hbm, h_hbm, out_hbm, h_v, xbuf, idxbuf):
        wid = lax.axis_index("s") * nc + lax.axis_index("c")
        base = start + wid * tpw
        obase = wid * tpw
        pltpu.sync_copy(h_hbm, h_v)
        lane = lax.broadcasted_iota(jnp.int32, (p,), 0)

        def chunk_body(ci, _):
            cbase = ci * chunk
            pltpu.sync_copy(x_hbm.at[pl.ds(base + cbase, chunk)], xbuf)

            def grp_body(g, _):
                def tok_body(j, idxv):
                    tt = g * p + j

                    def dbody(db, accs):
                        xv = xbuf[tt, pl.ds(db * 16, 16)]
                        u = lax.bitcast_convert_type(xv, jnp.int32)
                        r = (u + 0x7FFF + ((u >> 16) & 1)) & jnp.int32(-65536)
                        xr = lax.bitcast_convert_type(r, jnp.float32)
                        accs = list(accs)
                        for ll in range(16):
                            accs[ll % 4] = (
                                accs[ll % 4]
                                + xr[ll] * h_v[pl.ds((db * 16 + ll) * p, p)])
                        return tuple(accs)

                    z = jnp.zeros((p,), jnp.float32)
                    a0, a1, a2, a3 = lax.fori_loop(0, d // 16, dbody,
                                                   (z, z, z, z), unroll=2)
                    acc = (a0 + a1) + (a2 + a3)
                    m = jnp.max(acc)
                    ffs = plsc.all_reduce_ffs(acc == m)
                    return jnp.where(lane == j, ffs, idxv)

                idxv = lax.fori_loop(0, p, tok_body,
                                     jnp.zeros((p,), jnp.int32))
                idxbuf[pl.ds(g * p, p)] = idxv
                return 0

            lax.fori_loop(0, chunk // p, grp_body, 0)
            pltpu.sync_copy(idxbuf, out_hbm.at[pl.ds(obase + cbase, chunk)])
            return 0

        lax.fori_loop(0, tpw // chunk, chunk_body, 0)

    u = lax.bitcast_convert_type(hyperplanes, jnp.int32)
    r = (u + 0x7FFF + ((u >> 16) & 1)) & jnp.int32(-65536)
    h_rounded = lax.bitcast_convert_type(r, jnp.float32)
    return k(x, h_rounded.reshape(-1))


def kernel(x, hyperplanes):
    t, _ = x.shape
    s = _SC_TOKENS
    nt = t - s
    out_sc = _sc_router(x, hyperplanes, nt, s)
    out_tc = _tc_router(x, hyperplanes, nt)
    return jnp.concatenate([out_tc, out_sc])

# --- scband reference (transcript-rebuilt; emitter-appended) ---
"""Pipeline reference for scband-lshrouter-54898271977917 (READ-ONLY COPY).

The authoritative reference and input builder live on the scoring server;
editing this copy changes nothing except your own understanding.
"""

import jax, jax.numpy as jnp
import numpy as np


def setup_inputs(seed: int = 0) -> dict:
    key = jax.random.key(seed)
    k1, k2 = jax.random.split(key)
    x = jax.random.normal(k1, (32768, 768), dtype=jnp.float32)
    # fixed (buffer) hyperplanes sized per init_kwargs: [d_model=768, num_ponds=16]
    hyperplanes = jax.random.normal(k2, (768, 16), dtype=jnp.float32)
    return {"x": x, "hyperplanes": hyperplanes}


def reference(x, hyperplanes):
    # projections = x @ hyperplanes  -> [num_tokens, num_ponds]
    projections = jnp.matmul(x, hyperplanes)
    # assigned_ponds = argmax over pond dimension -> int array [num_tokens]
    assigned_ponds = jnp.argmax(projections, axis=-1)
    return assigned_ponds

if __name__ == "__main__":
    import jax
    _d = setup_inputs()
    print(jax.jit(kernel)(*tuple(_d.values())))

</pallas_src>

<mosaic_0001>
#map = affine_map<(d0, d1) -> (0, 0)>
#map1 = affine_map<(d0, d1) -> (0)>
module attributes {stable_mosaic.version = 14 : i64} {
  func.func @k(%arg0: i32, %arg1: i32, %arg2: memref<32768x768xf32, #tpu.memory_space<hbm>>, %arg3: memref<12288xf32, #tpu.memory_space<hbm>>, %arg4: memref<1024xi32, #tpu.memory_space<hbm>>, %arg5: memref<12288xf32, #tpu.memory_space<vmem>>, %arg6: memref<32x768xf32, #tpu.memory_space<vmem>>, %arg7: memref<32xi32, #tpu.memory_space<vmem>>) attributes {dimension_semantics = [#tpu.dimension_semantics<core_parallel>, #tpu.dimension_semantics<subcore_parallel>], iteration_bounds = array<i64: 2, 16>, scalar_prefetch = 0 : i64, scratch_operands = 3 : i64, tpu.core_type = #tpu.core_type<sc_vector_subcore>, window_params = [{transform_indices = #map}, {transform_indices = #map1}, {transform_indices = #map1}]} {
    %mul3A = arith.constant 2 : i32
    %mul3A_0 = arith.muli %arg1, %mul3A : i32
    %add3A = arith.addi %mul3A_0, %arg0 : i32
    %mul3A_1 = arith.constant 32 : i32
    %mul3A_2 = arith.muli %add3A, %mul3A_1 : i32
    %add3A_3 = arith.constant 31744 : i32
    %add3A_4 = arith.addi %add3A_3, %mul3A_2 : i32
    %mul3A_5 = arith.constant 32 : i32
    %mul3A_6 = arith.muli %add3A, %mul3A_5 : i32
    "tpu.region"() ({
      %run_scoped3A = tpu.sem_alloc : memref<!tpu.dma_semaphore, #tpu.memory_space<semaphore_mem>>
      tpu.enqueue_dma source(%arg3 : memref<12288xf32, #tpu.memory_space<hbm>>) target(%arg5 : memref<12288xf32, #tpu.memory_space<vmem>>) target_semaphore(%run_scoped3A : memref<!tpu.dma_semaphore, #tpu.memory_space<semaphore_mem>>)
      tpu.wait_dma2 semaphore(%run_scoped3A : memref<!tpu.dma_semaphore, #tpu.memory_space<semaphore_mem>>) src(%arg3 : memref<12288xf32, #tpu.memory_space<hbm>>) dst(%arg5 : memref<12288xf32, #tpu.memory_space<vmem>>)
      tpu.yield
    }) : () -> ()
    %iota3A = tpu.iota {dimensions = array<i32: 0>} : vector<16xi32>
    %scan3A = arith.constant 0 : i32
    %scan3A_7 = arith.constant 0 : i32
    %mul3A_8 = arith.constant 32 : i32
    %mul3A_9 = arith.muli %scan3A_7, %mul3A_8 : i32
    %add3A_10 = arith.addi %add3A_4, %mul3A_9 : i32
    "tpu.region"() ({
      %run_scoped3A = tpu.sem_alloc : memref<!tpu.dma_semaphore, #tpu.memory_space<semaphore_mem>>
      %dma_start3A = arith.constant 0 : i32
      %dma_start3A_21 = tpu.memref_slice %arg2[%add3A_10, %dma_start3A] : memref<32768x768xf32, #tpu.memory_space<hbm>> -> memref<32x768xf32, #tpu.memory_space<hbm>>
      %dma_start3A_22 = arith.constant 0 : i32
      %dma_start3A_23 = tpu.memref_slice %arg2[%add3A_10, %dma_start3A_22] : memref<32768x768xf32, #tpu.memory_space<hbm>> -> memref<32x768xf32, #tpu.memory_space<hbm>>
      tpu.enqueue_dma source(%dma_start3A_23 : memref<32x768xf32, #tpu.memory_space<hbm>>) target(%arg6 : memref<32x768xf32, #tpu.memory_space<vmem>>) target_semaphore(%run_scoped3A : memref<!tpu.dma_semaphore, #tpu.memory_space<semaphore_mem>>)
      %dma_wait3A = arith.constant 0 : i32
      %dma_wait3A_24 = tpu.memref_slice %arg2[%add3A_10, %dma_wait3A] : memref<32768x768xf32, #tpu.memory_space<hbm>> -> memref<32x768xf32, #tpu.memory_space<hbm>>
      %dma_wait3A_25 = arith.constant 0 : i32
      %dma_wait3A_26 = tpu.memref_slice %arg2[%add3A_10, %dma_wait3A_25] : memref<32768x768xf32, #tpu.memory_space<hbm>> -> memref<32x768xf32, #tpu.memory_space<hbm>>
      tpu.wait_dma2 semaphore(%run_scoped3A : memref<!tpu.dma_semaphore, #tpu.memory_space<semaphore_mem>>) src(%dma_wait3A_26 : memref<32x768xf32, #tpu.memory_space<hbm>>) dst(%arg6 : memref<32x768xf32, #tpu.memory_space<vmem>>)
      tpu.yield
    }) : () -> ()
    %scan3A_11 = arith.constant 0 : i32
    %scan3A_12 = arith.constant 0 : i32
    %scan3A_13 = arith.constant 2 : i32
    %scan3A_14 = arith.addi %scan3A_12, %scan3A_13 : i32
    %scan3A_15 = arith.constant 1 : i32
    %scan3A_16 = scf.for %scan3A_21 = %scan3A_12 to %scan3A_14 step %scan3A_15 iter_args(%scan3A_22 = %scan3A_11) -> (i32)  : i32 {
      %broadcast_in_dim3A = arith.constant 0 : i32
      %broadcast_in_dim3A_23 = vector.broadcast %broadcast_in_dim3A : i32 to vector<16xi32>
      %scan3A_24 = arith.constant 0 : i32
      %scan3A_25 = arith.constant 16 : i32
      %scan3A_26 = arith.addi %scan3A_24, %scan3A_25 : i32
      %scan3A_27 = arith.constant 1 : i32
      %scan3A_28 = scf.for %scan3A_34 = %scan3A_24 to %scan3A_26 step %scan3A_27 iter_args(%scan3A_35 = %broadcast_in_dim3A_23) -> (vector<16xi32>)  : i32 {
        %mul3A_36 = arith.constant 16 : i32
        %mul3A_37 = arith.muli %scan3A_21, %mul3A_36 : i32
        %add3A_38 = arith.addi %mul3A_37, %scan3A_34 : i32
        %broadcast_in_dim3A_39 = arith.constant 0.000000e+00 : f32
        %broadcast_in_dim3A_40 = vector.broadcast %broadcast_in_dim3A_39 : f32 to vector<16xf32>
        %scan3A_41 = arith.constant 0 : i32
        %scan3A_42 = arith.constant 48 : i32
        %scan3A_43 = arith.addi %scan3A_41, %scan3A_42 : i32
        %scan3A_44 = arith.constant 2 : i32
        %scan3A_45:4 = scf.for %scan3A_56 = %scan3A_41 to %scan3A_43 step %scan3A_44 iter_args(%scan3A_57 = %broadcast_in_dim3A_40, %scan3A_58 = %broadcast_in_dim3A_40, %scan3A_59 = %broadcast_in_dim3A_40, %scan3A_60 = %broadcast_in_dim3A_40) -> (vector<16xf32>, vector<16xf32>, vector<16xf32>, vector<16xf32>)  : i32 {
          %mul3A_61 = arith.constant 16 : i32
          %mul3A_62 = arith.muli %scan3A_56, %mul3A_61 : i32
          %get3A = arith.index_cast %add3A_38 : i32 to index
          %get3A_63 = arith.index_cast %mul3A_62 : i32 to index
          %get3A_64 = tpu.vector_load %arg6[%get3A, %get3A_63] {strides = array<i32>} : memref<32x768xf32, #tpu.memory_space<vmem>>, vector<16xf32>,
          %bitcast_convert_type3A = tpu.bitcast %get3A_64 : vector<16xf32> -> vector<16xi32>
          %add3A_65 = arith.constant 32767 : i32
          %add3A_66 = vector.broadcast %add3A_65 : i32 to vector<16xi32>
          %add3A_67 = arith.addi %bitcast_convert_type3A, %add3A_66 : vector<16xi32>
          %shift_right_arithmetic3A = arith.constant 16 : i32
          %shift_right_arithmetic3A_68 = vector.broadcast %shift_right_arithmetic3A : i32 to vector<16xi32>
          %shift_right_arithmetic3A_69 = arith.shrsi %bitcast_convert_type3A, %shift_right_arithmetic3A_68 : vector<16xi32>
          %and3A = arith.constant 1 : i32
          %and3A_70 = vector.broadcast %and3A : i32 to vector<16xi32>
          %and3A_71 = arith.andi %shift_right_arithmetic3A_69, %and3A_70 : vector<16xi32>
          %add3A_72 = arith.addi %add3A_67, %and3A_71 : vector<16xi32>
          %and3A_73 = arith.constant -65536 : i32
          %and3A_74 = vector.broadcast %and3A_73 : i32 to vector<16xi32>
          %and3A_75 = arith.andi %add3A_72, %and3A_74 : vector<16xi32>
          %bitcast_convert_type3A_76 = tpu.bitcast %and3A_75 : vector<16xi32> -> vector<16xf32>
          %slice3A = vector.extract_strided_slice %bitcast_convert_type3A_76 {offsets = [0], sizes = [1], strides = [1]} : vector<16xf32> to vector<1xf32>
          %squeeze3A = vector.extract %slice3A[0] : f32 from vector<1xf32>
          %mul3A_77 = arith.constant 16 : i32
          %mul3A_78 = arith.muli %scan3A_56, %mul3A_77 : i32
          %add3A_79 = arith.constant 0 : i32
          %add3A_80 = arith.addi %mul3A_78, %add3A_79 : i32
          %mul3A_81 = arith.constant 16 : i32
          %mul3A_82 = arith.muli %add3A_80, %mul3A_81 : i32
          %get3A_83 = arith.index_cast %mul3A_82 : i32 to index
          %get3A_84 = tpu.vector_load %arg5[%get3A_83] {strides = array<i32>} : memref<12288xf32, #tpu.memory_space<vmem>>, vector<16xf32>,
          %mul3A_85 = vector.broadcast %squeeze3A : f32 to vector<16xf32>
          %mul3A_86 = arith.mulf %mul3A_85, %get3A_84 : vector<16xf32>
          %add3A_87 = arith.addf %scan3A_57, %mul3A_86 : vector<16xf32>
          %slice3A_88 = vector.extract_strided_slice %bitcast_convert_type3A_76 {offsets = [1], sizes = [1], strides = [1]} : vector<16xf32> to vector<1xf32>
          %squeeze3A_89 = vector.extract %slice3A_88[0] : f32 from vector<1xf32>
          %mul3A_90 = arith.constant 16 : i32
          %mul3A_91 = arith.muli %scan3A_56, %mul3A_90 : i32
          %add3A_92 = arith.constant 1 : i32
          %add3A_93 = arith.addi %mul3A_91, %add3A_92 : i32
          %mul3A_94 = arith.constant 16 : i32
          %mul3A_95 = arith.muli %add3A_93, %mul3A_94 : i32
          %get3A_96 = arith.index_cast %mul3A_95 : i32 to index
          %get3A_97 = tpu.vector_load %arg5[%get3A_96] {strides = array<i32>} : memref<12288xf32, #tpu.memory_space<vmem>>, vector<16xf32>,
          %mul3A_98 = vector.broadcast %squeeze3A_89 : f32 to vector<16xf32>
          %mul3A_99 = arith.mulf %mul3A_98, %get3A_97 : vector<16xf32>
          %add3A_100 = arith.addf %scan3A_58, %mul3A_99 : vector<16xf32>
          %slice3A_101 = vector.extract_strided_slice %bitcast_convert_type3A_76 {offsets = [2], sizes = [1], strides = [1]} : vector<16xf32> to vector<1xf32>
          %squeeze3A_102 = vector.extract %slice3A_101[0] : f32 from vector<1xf32>
          %mul3A_103 = arith.constant 16 : i32
          %mul3A_104 = arith.muli %scan3A_56, %mul3A_103 : i32
          %add3A_105 = arith.constant 2 : i32
          %add3A_106 = arith.addi %mul3A_104, %add3A_105 : i32
          %mul3A_107 = arith.constant 16 : i32
          %mul3A_108 = arith.muli %add3A_106, %mul3A_107 : i32
          %get3A_109 = arith.index_cast %mul3A_108 : i32 to index
          %get3A_110 = tpu.vector_load %arg5[%get3A_109] {strides = array<i32>} : memref<12288xf32, #tpu.memory_space<vmem>>, vector<16xf32>,
          %mul3A_111 = vector.broadcast %squeeze3A_102 : f32 to vector<16xf32>
          %mul3A_112 = arith.mulf %mul3A_111, %get3A_110 : vector<16xf32>
          %add3A_113 = arith.addf %scan3A_59, %mul3A_112 : vector<16xf32>
          %slice3A_114 = vector.extract_strided_slice %bitcast_convert_type3A_76 {offsets = [3], sizes = [1], strides = [1]} : vector<16xf32> to vector<1xf32>
          %squeeze3A_115 = vector.extract %slice3A_114[0] : f32 from vector<1xf32>
          %mul3A_116 = arith.constant 16 : i32
          %mul3A_117 = arith.muli %scan3A_56, %mul3A_116 : i32
          %add3A_118 = arith.constant 3 : i32
          %add3A_119 = arith.addi %mul3A_117, %add3A_118 : i32
          %mul3A_120 = arith.constant 16 : i32
          %mul3A_121 = arith.muli %add3A_119, %mul3A_120 : i32
          %get3A_122 = arith.index_cast %mul3A_121 : i32 to index
          %get3A_123 = tpu.vector_load %arg5[%get3A_122] {strides = array<i32>} : memref<12288xf32, #tpu.memory_space<vmem>>, vector<16xf32>,
          %mul3A_124 = vector.broadcast %squeeze3A_115 : f32 to vector<16xf32>
          %mul3A_125 = arith.mulf %mul3A_124, %get3A_123 : vector<16xf32>
          %add3A_126 = arith.addf %scan3A_60, %mul3A_125 : vector<16xf32>
          %slice3A_127 = vector.extract_strided_slice %bitcast_convert_type3A_76 {offsets = [4], sizes = [1], strides = [1]} : vector<16xf32> to vector<1xf32>
          %squeeze3A_128 = vector.extract %slice3A_127[0] : f32 from vector<1xf32>
          %mul3A_129 = arith.constant 16 : i32
          %mul3A_130 = arith.muli %scan3A_56, %mul3A_129 : i32
          %add3A_131 = arith.constant 4 : i32
          %add3A_132 = arith.addi %mul3A_130, %add3A_131 : i32
          %mul3A_133 = arith.constant 16 : i32
          %mul3A_134 = arith.muli %add3A_132, %mul3A_133 : i32
          %get3A_135 = arith.index_cast %mul3A_134 : i32 to index
          %get3A_136 = tpu.vector_load %arg5[%get3A_135] {strides = array<i32>} : memref<12288xf32, #tpu.memory_space<vmem>>, vector<16xf32>,
          %mul3A_137 = vector.broadcast %squeeze3A_128 : f32 to vector<16xf32>
          %mul3A_138 = arith.mulf %mul3A_137, %get3A_136 : vector<16xf32>
          %add3A_139 = arith.addf %add3A_87, %mul3A_138 : vector<16xf32>
          %slice3A_140 = vector.extract_strided_slice %bitcast_convert_type3A_76 {offsets = [5], sizes = [1], strides = [1]} : vector<16xf32> to vector<1xf32>
          %squeeze3A_141 = vector.extract %slice3A_140[0] : f32 from vector<1xf32>
          %mul3A_142 = arith.constant 16 : i32
          %mul3A_143 = arith.muli %scan3A_56, %mul3A_142 : i32
          %add3A_144 = arith.constant 5 : i32
          %add3A_145 = arith.addi %mul3A_143, %add3A_144 : i32
          %mul3A_146 = arith.constant 16 : i32
          %mul3A_147 = arith.muli %add3A_145, %mul3A_146 : i32
          %get3A_148 = arith.index_cast %mul3A_147 : i32 to index
          %get3A_149 = tpu.vector_load %arg5[%get3A_148] {strides = array<i32>} : memref<12288xf32, #tpu.memory_space<vmem>>, vector<16xf32>,
          %mul3A_150 = vector.broadcast %squeeze3A_141 : f32 to vector<16xf32>
          %mul3A_151 = arith.mulf %mul3A_150, %get3A_149 : vector<16xf32>
          %add3A_152 = arith.addf %add3A_100, %mul3A_151 : vector<16xf32>
          %slice3A_153 = vector.extract_strided_slice %bitcast_convert_type3A_76 {offsets = [6], sizes = [1], strides = [1]} : vector<16xf32> to vector<1xf32>
          %squeeze3A_154 = vector.extract %slice3A_153[0] : f32 from vector<1xf32>
          %mul3A_155 = arith.constant 16 : i32
          %mul3A_156 = arith.muli %scan3A_56, %mul3A_155 : i32
          %add3A_157 = arith.constant 6 : i32
          %add3A_158 = arith.addi %mul3A_156, %add3A_157 : i32
          %mul3A_159 = arith.constant 16 : i32
          %mul3A_160 = arith.muli %add3A_158, %mul3A_159 : i32
          %get3A_161 = arith.index_cast %mul3A_160 : i32 to index
          %get3A_162 = tpu.vector_load %arg5[%get3A_161] {strides = array<i32>} : memref<12288xf32, #tpu.memory_space<vmem>>, vector<16xf32>,
          %mul3A_163 = vector.broadcast %squeeze3A_154 : f32 to vector<16xf32>
          %mul3A_164 = arith.mulf %mul3A_163, %get3A_162 : vector<16xf32>
          %add3A_165 = arith.addf %add3A_113, %mul3A_164 : vector<16xf32>
          %slice3A_166 = vector.extract_strided_slice %bitcast_convert_type3A_76 {offsets = [7], sizes = [1], strides = [1]} : vector<16xf32> to vector<1xf32>
          %squeeze3A_167 = vector.extract %slice3A_166[0] : f32 from vector<1xf32>
          %mul3A_168 = arith.constant 16 : i32
          %mul3A_169 = arith.muli %scan3A_56, %mul3A_168 : i32
          %add3A_170 = arith.constant 7 : i32
          %add3A_171 = arith.addi %mul3A_169, %add3A_170 : i32
          %mul3A_172 = arith.constant 16 : i32
          %mul3A_173 = arith.muli %add3A_171, %mul3A_172 : i32
          %get3A_174 = arith.index_cast %mul3A_173 : i32 to index
          %get3A_175 = tpu.vector_load %arg5[%get3A_174] {strides = array<i32>} : memref<12288xf32, #tpu.memory_space<vmem>>, vector<16xf32>,
          %mul3A_176 = vector.broadcast %squeeze3A_167 : f32 to vector<16xf32>
          %mul3A_177 = arith.mulf %mul3A_176, %get3A_175 : vector<16xf32>
          %add3A_178 = arith.addf %add3A_126, %mul3A_177 : vector<16xf32>
          %slice3A_179 = vector.extract_strided_slice %bitcast_convert_type3A_76 {offsets = [8], sizes = [1], strides = [1]} : vector<16xf32> to vector<1xf32>
          %squeeze3A_180 = vector.extract %slice3A_179[0] : f32 from vector<1xf32>
          %mul3A_181 = arith.constant 16 : i32
          %mul3A_182 = arith.muli %scan3A_56, %mul3A_181 : i32
          %add3A_183 = arith.constant 8 : i32
          %add3A_184 = arith.addi %mul3A_182, %add3A_183 : i32
          %mul3A_185 = arith.constant 16 : i32
          %mul3A_186 = arith.muli %add3A_184, %mul3A_185 : i32
          %get3A_187 = arith.index_cast %mul3A_186 : i32 to index
          %get3A_188 = tpu.vector_load %arg5[%get3A_187] {strides = array<i32>} : memref<12288xf32, #tpu.memory_space<vmem>>, vector<16xf32>,
          %mul3A_189 = vector.broadcast %squeeze3A_180 : f32 to vector<16xf32>
          %mul3A_190 = arith.mulf %mul3A_189, %get3A_188 : vector<16xf32>
          %add3A_191 = arith.addf %add3A_139, %mul3A_190 : vector<16xf32>
          %slice3A_192 = vector.extract_strided_slice %bitcast_convert_type3A_76 {offsets = [9], sizes = [1], strides = [1]} : vector<16xf32> to vector<1xf32>
          %squeeze3A_193 = vector.extract %slice3A_192[0] : f32 from vector<1xf32>
          %mul3A_194 = arith.constant 16 : i32
          %mul3A_195 = arith.muli %scan3A_56, %mul3A_194 : i32
          %add3A_196 = arith.constant 9 : i32
          %add3A_197 = arith.addi %mul3A_195, %add3A_196 : i32
          %mul3A_198 = arith.constant 16 : i32
          %mul3A_199 = arith.muli %add3A_197, %mul3A_198 : i32
          %get3A_200 = arith.index_cast %mul3A_199 : i32 to index
          %get3A_201 = tpu.vector_load %arg5[%get3A_200] {strides = array<i32>} : memref<12288xf32, #tpu.memory_space<vmem>>, vector<16xf32>,
          %mul3A_202 = vector.broadcast %squeeze3A_193 : f32 to vector<16xf32>
          %mul3A_203 = arith.mulf %mul3A_202, %get3A_201 : vector<16xf32>
          %add3A_204 = arith.addf %add3A_152, %mul3A_203 : vector<16xf32>
          %slice3A_205 = vector.extract_strided_slice %bitcast_convert_type3A_76 {offsets = [10], sizes = [1], strides = [1]} : vector<16xf32> to vector<1xf32>
          %squeeze3A_206 = vector.extract %slice3A_205[0] : f32 from vector<1xf32>
          %mul3A_207 = arith.constant 16 : i32
          %mul3A_208 = arith.muli %scan3A_56, %mul3A_207 : i32
          %add3A_209 = arith.constant 10 : i32
          %add3A_210 = arith.addi %mul3A_208, %add3A_209 : i32
          %mul3A_211 = arith.constant 16 : i32
          %mul3A_212 = arith.muli %add3A_210, %mul3A_211 : i32
          %get3A_213 = arith.index_cast %mul3A_212 : i32 to index
          %get3A_214 = tpu.vector_load %arg5[%get3A_213] {strides = array<i32>} : memref<12288xf32, #tpu.memory_space<vmem>>, vector<16xf32>,
          %mul3A_215 = vector.broadcast %squeeze3A_206 : f32 to vector<16xf32>
          %mul3A_216 = arith.mulf %mul3A_215, %get3A_214 : vector<16xf32>
          %add3A_217 = arith.addf %add3A_165, %mul3A_216 : vector<16xf32>
          %slice3A_218 = vector.extract_strided_slice %bitcast_convert_type3A_76 {offsets = [11], sizes = [1], strides = [1]} : vector<16xf32> to vector<1xf32>
          %squeeze3A_219 = vector.extract %slice3A_218[0] : f32 from vector<1xf32>
          %mul3A_220 = arith.constant 16 : i32
          %mul3A_221 = arith.muli %scan3A_56, %mul3A_220 : i32
          %add3A_222 = arith.constant 11 : i32
          %add3A_223 = arith.addi %mul3A_221, %add3A_222 : i32
          %mul3A_224 = arith.constant 16 : i32
          %mul3A_225 = arith.muli %add3A_223, %mul3A_224 : i32
          %get3A_226 = arith.index_cast %mul3A_225 : i32 to index
          %get3A_227 = tpu.vector_load %arg5[%get3A_226] {strides = array<i32>} : memref<12288xf32, #tpu.memory_space<vmem>>, vector<16xf32>,
          %mul3A_228 = vector.broadcast %squeeze3A_219 : f32 to vector<16xf32>
          %mul3A_229 = arith.mulf %mul3A_228, %get3A_227 : vector<16xf32>
          %add3A_230 = arith.addf %add3A_178, %mul3A_229 : vector<16xf32>
          %slice3A_231 = vector.extract_strided_slice %bitcast_convert_type3A_76 {offsets = [12], sizes = [1], strides = [1]} : vector<16xf32> to vector<1xf32>
          %squeeze3A_232 = vector.extract %slice3A_231[0] : f32 from vector<1xf32>
          %mul3A_233 = arith.constant 16 : i32
          %mul3A_234 = arith.muli %scan3A_56, %mul3A_233 : i32
          %add3A_235 = arith.constant 12 : i32
          %add3A_236 = arith.addi %mul3A_234, %add3A_235 : i32
          %mul3A_237 = arith.constant 16 : i32
          %mul3A_238 = arith.muli %add3A_236, %mul3A_237 : i32
          %get3A_239 = arith.index_cast %mul3A_238 : i32 to index
          %get3A_240 = tpu.vector_load %arg5[%get3A_239] {strides = array<i32>} : memref<12288xf32, #tpu.memory_space<vmem>>, vector<16xf32>,
          %mul3A_241 = vector.broadcast %squeeze3A_232 : f32 to vector<16xf32>
          %mul3A_242 = arith.mulf %mul3A_241, %get3A_240 : vector<16xf32>
          %add3A_243 = arith.addf %add3A_191, %mul3A_242 : vector<16xf32>
          %slice3A_244 = vector.extract_strided_slice %bitcast_convert_type3A_76 {offsets = [13], sizes = [1], strides = [1]} : vector<16xf32> to vector<1xf32>
          %squeeze3A_245 = vector.extract %slice3A_244[0] : f32 from vector<1xf32>
          %mul3A_246 = arith.constant 16 : i32
          %mul3A_247 = arith.muli %scan3A_56, %mul3A_246 : i32
          %add3A_248 = arith.constant 13 : i32
          %add3A_249 = arith.addi %mul3A_247, %add3A_248 : i32
          %mul3A_250 = arith.constant 16 : i32
          %mul3A_251 = arith.muli %add3A_249, %mul3A_250 : i32
          %get3A_252 = arith.index_cast %mul3A_251 : i32 to index
          %get3A_253 = tpu.vector_load %arg5[%get3A_252] {strides = array<i32>} : memref<12288xf32, #tpu.memory_space<vmem>>, vector<16xf32>,
          %mul3A_254 = vector.broadcast %squeeze3A_245 : f32 to vector<16xf32>
          %mul3A_255 = arith.mulf %mul3A_254, %get3A_253 : vector<16xf32>
          %add3A_256 = arith.addf %add3A_204, %mul3A_255 : vector<16xf32>
          %slice3A_257 = vector.extract_strided_slice %bitcast_convert_type3A_76 {offsets = [14], sizes = [1], strides = [1]} : vector<16xf32> to vector<1xf32>
          %squeeze3A_258 = vector.extract %slice3A_257[0] : f32 from vector<1xf32>
          %mul3A_259 = arith.constant 16 : i32
          %mul3A_260 = arith.muli %scan3A_56, %mul3A_259 : i32
          %add3A_261 = arith.constant 14 : i32
          %add3A_262 = arith.addi %mul3A_260, %add3A_261 : i32
          %mul3A_263 = arith.constant 16 : i32
          %mul3A_264 = arith.muli %add3A_262, %mul3A_263 : i32
          %get3A_265 = arith.index_cast %mul3A_264 : i32 to index
          %get3A_266 = tpu.vector_load %arg5[%get3A_265] {strides = array<i32>} : memref<12288xf32, #tpu.memory_space<vmem>>, vector<16xf32>,
          %mul3A_267 = vector.broadcast %squeeze3A_258 : f32 to vector<16xf32>
          %mul3A_268 = arith.mulf %mul3A_267, %get3A_266 : vector<16xf32>
          %add3A_269 = arith.addf %add3A_217, %mul3A_268 : vector<16xf32>
          %slice3A_270 = vector.extract_strided_slice %bitcast_convert_type3A_76 {offsets = [15], sizes = [1], strides = [1]} : vector<16xf32> to vector<1xf32>
          %squeeze3A_271 = vector.extract %slice3A_270[0] : f32 from vector<1xf32>
          %mul3A_272 = arith.constant 16 : i32
          %mul3A_273 = arith.muli %scan3A_56, %mul3A_272 : i32
          %add3A_274 = arith.constant 15 : i32
          %add3A_275 = arith.addi %mul3A_273, %add3A_274 : i32
          %mul3A_276 = arith.constant 16 : i32
          %mul3A_277 = arith.muli %add3A_275, %mul3A_276 : i32
          %get3A_278 = arith.index_cast %mul3A_277 : i32 to index
          %get3A_279 = tpu.vector_load %arg5[%get3A_278] {strides = array<i32>} : memref<12288xf32, #tpu.memory_space<vmem>>, vector<16xf32>,
          %mul3A_280 = vector.broadcast %squeeze3A_271 : f32 to vector<16xf32>
          %mul3A_281 = arith.mulf %mul3A_280, %get3A_279 : vector<16xf32>
          %add3A_282 = arith.addf %add3A_230, %mul3A_281 : vector<16xf32>
          %scan3A_283 = arith.constant 1 : i32
          %scan3A_284 = arith.addi %scan3A_56, %scan3A_283 : i32
          %mul3A_285 = arith.constant 16 : i32
          %mul3A_286 = arith.muli %scan3A_284, %mul3A_285 : i32
          %get3A_287 = arith.index_cast %add3A_38 : i32 to index
          %get3A_288 = arith.index_cast %mul3A_286 : i32 to index
          %get3A_289 = tpu.vector_load %arg6[%get3A_287, %get3A_288] {strides = array<i32>} : memref<32x768xf32, #tpu.memory_space<vmem>>, vector<16xf32>,
          %bitcast_convert_type3A_290 = tpu.bitcast %get3A_289 : vector<16xf32> -> vector<16xi32>
          %add3A_291 = arith.constant 32767 : i32
          %add3A_292 = vector.broadcast %add3A_291 : i32 to vector<16xi32>
          %add3A_293 = arith.addi %bitcast_convert_type3A_290, %add3A_292 : vector<16xi32>
          %shift_right_arithmetic3A_294 = arith.constant 16 : i32
          %shift_right_arithmetic3A_295 = vector.broadcast %shift_right_arithmetic3A_294 : i32 to vector<16xi32>
          %shift_right_arithmetic3A_296 = arith.shrsi %bitcast_convert_type3A_290, %shift_right_arithmetic3A_295 : vector<16xi32>
          %and3A_297 = arith.constant 1 : i32
          %and3A_298 = vector.broadcast %and3A_297 : i32 to vector<16xi32>
          %and3A_299 = arith.andi %shift_right_arithmetic3A_296, %and3A_298 : vector<16xi32>
          %add3A_300 = arith.addi %add3A_293, %and3A_299 : vector<16xi32>
          %and3A_301 = arith.constant -65536 : i32
          %and3A_302 = vector.broadcast %and3A_301 : i32 to vector<16xi32>
          %and3A_303 = arith.andi %add3A_300, %and3A_302 : vector<16xi32>
          %bitcast_convert_type3A_304 = tpu.bitcast %and3A_303 : vector<16xi32> -> vector<16xf32>
          %slice3A_305 = vector.extract_strided_slice %bitcast_convert_type3A_304 {offsets = [0], sizes = [1], strides = [1]} : vector<16xf32> to vector<1xf32>
          %squeeze3A_306 = vector.extract %slice3A_305[0] : f32 from vector<1xf32>
          %mul3A_307 = arith.constant 16 : i32
          %mul3A_308 = arith.muli %scan3A_284, %mul3A_307 : i32
          %add3A_309 = arith.constant 0 : i32
          %add3A_310 = arith.addi %mul3A_308, %add3A_309 : i32
          %mul3A_311 = arith.constant 16 : i32
          %mul3A_312 = arith.muli %add3A_310, %mul3A_311 : i32
          %get3A_313 = arith.index_cast %mul3A_312 : i32 to index
          %get3A_314 = tpu.vector_load %arg5[%get3A_313] {strides = array<i32>} : memref<12288xf32, #tpu.memory_space<vmem>>, vector<16xf32>,
          %mul3A_315 = vector.broadcast %squeeze3A_306 : f32 to vector<16xf32>
          %mul3A_316 = arith.mulf %mul3A_315, %get3A_314 : vector<16xf32>
          %add3A_317 = arith.addf %add3A_243, %mul3A_316 : vector<16xf32>
          %slice3A_318 = vector.extract_strided_slice %bitcast_convert_type3A_304 {offsets = [1], sizes = [1], strides = [1]} : vector<16xf32> to vector<1xf32>
          %squeeze3A_319 = vector.extract %slice3A_318[0] : f32 from vector<1xf32>
          %mul3A_320 = arith.constant 16 : i32
          %mul3A_321 = arith.muli %scan3A_284, %mul3A_320 : i32
          %add3A_322 = arith.constant 1 : i32
          %add3A_323 = arith.addi %mul3A_321, %add3A_322 : i32
          %mul3A_324 = arith.constant 16 : i32
          %mul3A_325 = arith.muli %add3A_323, %mul3A_324 : i32
          %get3A_326 = arith.index_cast %mul3A_325 : i32 to index
          %get3A_327 = tpu.vector_load %arg5[%get3A_326] {strides = array<i32>} : memref<12288xf32, #tpu.memory_space<vmem>>, vector<16xf32>,
          %mul3A_328 = vector.broadcast %squeeze3A_319 : f32 to vector<16xf32>
          %mul3A_329 = arith.mulf %mul3A_328, %get3A_327 : vector<16xf32>
          %add3A_330 = arith.addf %add3A_256, %mul3A_329 : vector<16xf32>
          %slice3A_331 = vector.extract_strided_slice %bitcast_convert_type3A_304 {offsets = [2], sizes = [1], strides = [1]} : vector<16xf32> to vector<1xf32>
          %squeeze3A_332 = vector.extract %slice3A_331[0] : f32 from vector<1xf32>
          %mul3A_333 = arith.constant 16 : i32
          %mul3A_334 = arith.muli %scan3A_284, %mul3A_333 : i32
          %add3A_335 = arith.constant 2 : i32
          %add3A_336 = arith.addi %mul3A_334, %add3A_335 : i32
          %mul3A_337 = arith.constant 16 : i32
          %mul3A_338 = arith.muli %add3A_336, %mul3A_337 : i32
          %get3A_339 = arith.index_cast %mul3A_338 : i32 to index
          %get3A_340 = tpu.vector_load %arg5[%get3A_339] {strides = array<i32>} : memref<12288xf32, #tpu.memory_space<vmem>>, vector<16xf32>,
          %mul3A_341 = vector.broadcast %squeeze3A_332 : f32 to vector<16xf32>
          %mul3A_342 = arith.mulf %mul3A_341, %get3A_340 : vector<16xf32>
          %add3A_343 = arith.addf %add3A_269, %mul3A_342 : vector<16xf32>
          %slice3A_344 = vector.extract_strided_slice %bitcast_convert_type3A_304 {offsets = [3], sizes = [1], strides = [1]} : vector<16xf32> to vector<1xf32>
          %squeeze3A_345 = vector.extract %slice3A_344[0] : f32 from vector<1xf32>
          %mul3A_346 = arith.constant 16 : i32
          %mul3A_347 = arith.muli %scan3A_284, %mul3A_346 : i32
          %add3A_348 = arith.constant 3 : i32
          %add3A_349 = arith.addi %mul3A_347, %add3A_348 : i32
          %mul3A_350 = arith.constant 16 : i32
          %mul3A_351 = arith.muli %add3A_349, %mul3A_350 : i32
          %get3A_352 = arith.index_cast %mul3A_351 : i32 to index
          %get3A_353 = tpu.vector_load %arg5[%get3A_352] {strides = array<i32>} : memref<12288xf32, #tpu.memory_space<vmem>>, vector<16xf32>,
          %mul3A_354 = vector.broadcast %squeeze3A_345 : f32 to vector<16xf32>
          %mul3A_355 = arith.mulf %mul3A_354, %get3A_353 : vector<16xf32>
          %add3A_356 = arith.addf %add3A_282, %mul3A_355 : vector<16xf32>
          %slice3A_357 = vector.extract_strided_slice %bitcast_convert_type3A_304 {offsets = [4], sizes = [1], strides = [1]} : vector<16xf32> to vector<1xf32>
          %squeeze3A_358 = vector.extract %slice3A_357[0] : f32 from vector<1xf32>
          %mul3A_359 = arith.constant 16 : i32
          %mul3A_360 = arith.muli %scan3A_284, %mul3A_359 : i32
          %add3A_361 = arith.constant 4 : i32
          %add3A_362 = arith.addi %mul3A_360, %add3A_361 : i32
          %mul3A_363 = arith.constant 16 : i32
          %mul3A_364 = arith.muli %add3A_362, %mul3A_363 : i32
          %get3A_365 = arith.index_cast %mul3A_364 : i32 to index
          %get3A_366 = tpu.vector_load %arg5[%get3A_365] {strides = array<i32>} : memref<12288xf32, #tpu.memory_space<vmem>>, vector<16xf32>,
          %mul3A_367 = vector.broadcast %squeeze3A_358 : f32 to vector<16xf32>
          %mul3A_368 = arith.mulf %mul3A_367, %get3A_366 : vector<16xf32>
          %add3A_369 = arith.addf %add3A_317, %mul3A_368 : vector<16xf32>
          %slice3A_370 = vector.extract_strided_slice %bitcast_convert_type3A_304 {offsets = [5], sizes = [1], strides = [1]} : vector<16xf32> to vector<1xf32>
          %squeeze3A_371 = vector.extract %slice3A_370[0] : f32 from vector<1xf32>
          %mul3A_372 = arith.constant 16 : i32
          %mul3A_373 = arith.muli %scan3A_284, %mul3A_372 : i32
          %add3A_374 = arith.constant 5 : i32
          %add3A_375 = arith.addi %mul3A_373, %add3A_374 : i32
          %mul3A_376 = arith.constant 16 : i32
          %mul3A_377 = arith.muli %add3A_375, %mul3A_376 : i32
          %get3A_378 = arith.index_cast %mul3A_377 : i32 to index
          %get3A_379 = tpu.vector_load %arg5[%get3A_378] {strides = array<i32>} : memref<12288xf32, #tpu.memory_space<vmem>>, vector<16xf32>,
          %mul3A_380 = vector.broadcast %squeeze3A_371 : f32 to vector<16xf32>
          %mul3A_381 = arith.mulf %mul3A_380, %get3A_379 : vector<16xf32>
          %add3A_382 = arith.addf %add3A_330, %mul3A_381 : vector<16xf32>
          %slice3A_383 = vector.extract_strided_slice %bitcast_convert_type3A_304 {offsets = [6], sizes = [1], strides = [1]} : vector<16xf32> to vector<1xf32>
          %squeeze3A_384 = vector.extract %slice3A_383[0] : f32 from vector<1xf32>
          %mul3A_385 = arith.constant 16 : i32
          %mul3A_386 = arith.muli %scan3A_284, %mul3A_385 : i32
          %add3A_387 = arith.constant 6 : i32
          %add3A_388 = arith.addi %mul3A_386, %add3A_387 : i32
          %mul3A_389 = arith.constant 16 : i32
          %mul3A_390 = arith.muli %add3A_388, %mul3A_389 : i32
          %get3A_391 = arith.index_cast %mul3A_390 : i32 to index
          %get3A_392 = tpu.vector_load %arg5[%get3A_391] {strides = array<i32>} : memref<12288xf32, #tpu.memory_space<vmem>>, vector<16xf32>,
          %mul3A_393 = vector.broadcast %squeeze3A_384 : f32 to vector<16xf32>
          %mul3A_394 = arith.mulf %mul3A_393, %get3A_392 : vector<16xf32>
          %add3A_395 = arith.addf %add3A_343, %mul3A_394 : vector<16xf32>
          %slice3A_396 = vector.extract_strided_slice %bitcast_convert_type3A_304 {offsets = [7], sizes = [1], strides = [1]} : vector<16xf32> to vector<1xf32>
          %squeeze3A_397 = vector.extract %slice3A_396[0] : f32 from vector<1xf32>
          %mul3A_398 = arith.constant 16 : i32
          %mul3A_399 = arith.muli %scan3A_284, %mul3A_398 : i32
          %add3A_400 = arith.constant 7 : i32
          %add3A_401 = arith.addi %mul3A_399, %add3A_400 : i32
          %mul3A_402 = arith.constant 16 : i32
          %mul3A_403 = arith.muli %add3A_401, %mul3A_402 : i32
          %get3A_404 = arith.index_cast %mul3A_403 : i32 to index
          %get3A_405 = tpu.vector_load %arg5[%get3A_404] {strides = array<i32>} : memref<12288xf32, #tpu.memory_space<vmem>>, vector<16xf32>,
          %mul3A_406 = vector.broadcast %squeeze3A_397 : f32 to vector<16xf32>
          %mul3A_407 = arith.mulf %mul3A_406, %get3A_405 : vector<16xf32>
          %add3A_408 = arith.addf %add3A_356, %mul3A_407 : vector<16xf32>
          %slice3A_409 = vector.extract_strided_slice %bitcast_convert_type3A_304 {offsets = [8], sizes = [1], strides = [1]} : vector<16xf32> to vector<1xf32>
          %squeeze3A_410 = vector.extract %slice3A_409[0] : f32 from vector<1xf32>
          %mul3A_411 = arith.constant 16 : i32
          %mul3A_412 = arith.muli %scan3A_284, %mul3A_411 : i32
          %add3A_413 = arith.constant 8 : i32
          %add3A_414 = arith.addi %mul3A_412, %add3A_413 : i32
          %mul3A_415 = arith.constant 16 : i32
          %mul3A_416 = arith.muli %add3A_414, %mul3A_415 : i32
          %get3A_417 = arith.index_cast %mul3A_416 : i32 to index
          %get3A_418 = tpu.vector_load %arg5[%get3A_417] {strides = array<i32>} : memref<12288xf32, #tpu.memory_space<vmem>>, vector<16xf32>,
          %mul3A_419 = vector.broadcast %squeeze3A_410 : f32 to vector<16xf32>
          %mul3A_420 = arith.mulf %mul3A_419, %get3A_418 : vector<16xf32>
          %add3A_421 = arith.addf %add3A_369, %mul3A_420 : vector<16xf32>
          %slice3A_422 = vector.extract_strided_slice %bitcast_convert_type3A_304 {offsets = [9], sizes = [1], strides = [1]} : vector<16xf32> to vector<1xf32>
          %squeeze3A_423 = vector.extract %slice3A_422[0] : f32 from vector<1xf32>
          %mul3A_424 = arith.constant 16 : i32
          %mul3A_425 = arith.muli %scan3A_284, %mul3A_424 : i32
          %add3A_426 = arith.constant 9 : i32
          %add3A_427 = arith.addi %mul3A_425, %add3A_426 : i32
          %mul3A_428 = arith.constant 16 : i32
          %mul3A_429 = arith.muli %add3A_427, %mul3A_428 : i32
          %get3A_430 = arith.index_cast %mul3A_429 : i32 to index
          %get3A_431 = tpu.vector_load %arg5[%get3A_430] {strides = array<i32>} : memref<12288xf32, #tpu.memory_space<vmem>>, vector<16xf32>,
          %mul3A_432 = vector.broadcast %squeeze3A_423 : f32 to vector<16xf32>
          %mul3A_433 = arith.mulf %mul3A_432, %get3A_431 : vector<16xf32>
          %add3A_434 = arith.addf %add3A_382, %mul3A_433 : vector<16xf32>
          %slice3A_435 = vector.extract_strided_slice %bitcast_convert_type3A_304 {offsets = [10], sizes = [1], strides = [1]} : vector<16xf32> to vector<1xf32>
          %squeeze3A_436 = vector.extract %slice3A_435[0] : f32 from vector<1xf32>
          %mul3A_437 = arith.constant 16 : i32
          %mul3A_438 = arith.muli %scan3A_284, %mul3A_437 : i32
          %add3A_439 = arith.constant 10 : i32
          %add3A_440 = arith.addi %mul3A_438, %add3A_439 : i32
          %mul3A_441 = arith.constant 16 : i32
          %mul3A_442 = arith.muli %add3A_440, %mul3A_441 : i32
          %get3A_443 = arith.index_cast %mul3A_442 : i32 to index
          %get3A_444 = tpu.vector_load %arg5[%get3A_443] {strides = array<i32>} : memref<12288xf32, #tpu.memory_space<vmem>>, vector<16xf32>,
          %mul3A_445 = vector.broadcast %squeeze3A_436 : f32 to vector<16xf32>
          %mul3A_446 = arith.mulf %mul3A_445, %get3A_444 : vector<16xf32>
          %add3A_447 = arith.addf %add3A_395, %mul3A_446 : vector<16xf32>
          %slice3A_448 = vector.extract_strided_slice %bitcast_convert_type3A_304 {offsets = [11], sizes = [1], strides = [1]} : vector<16xf32> to vector<1xf32>
          %squeeze3A_449 = vector.extract %slice3A_448[0] : f32 from vector<1xf32>
          %mul3A_450 = arith.constant 16 : i32
          %mul3A_451 = arith.muli %scan3A_284, %mul3A_450 : i32
          %add3A_452 = arith.constant 11 : i32
          %add3A_453 = arith.addi %mul3A_451, %add3A_452 : i32
          %mul3A_454 = arith.constant 16 : i32
          %mul3A_455 = arith.muli %add3A_453, %mul3A_454 : i32
          %get3A_456 = arith.index_cast %mul3A_455 : i32 to index
          %get3A_457 = tpu.vector_load %arg5[%get3A_456] {strides = array<i32>} : memref<12288xf32, #tpu.memory_space<vmem>>, vector<16xf32>,
          %mul3A_458 = vector.broadcast %squeeze3A_449 : f32 to vector<16xf32>
          %mul3A_459 = arith.mulf %mul3A_458, %get3A_457 : vector<16xf32>
          %add3A_460 = arith.addf %add3A_408, %mul3A_459 : vector<16xf32>
          %slice3A_461 = vector.extract_strided_slice %bitcast_convert_type3A_304 {offsets = [12], sizes = [1], strides = [1]} : vector<16xf32> to vector<1xf32>
          %squeeze3A_462 = vector.extract %slice3A_461[0] : f32 from vector<1xf32>
          %mul3A_463 = arith.constant 16 : i32
          %mul3A_464 = arith.muli %scan3A_284, %mul3A_463 : i32
          %add3A_465 = arith.constant 12 : i32
          %add3A_466 = arith.addi %mul3A_464, %add3A_465 : i32
          %mul3A_467 = arith.constant 16 : i32
          %mul3A_468 = arith.muli %add3A_466, %mul3A_467 : i32
          %get3A_469 = arith.index_cast %mul3A_468 : i32 to index
          %get3A_470 = tpu.vector_load %arg5[%get3A_469] {strides = array<i32>} : memref<12288xf32, #tpu.memory_space<vmem>>, vector<16xf32>,
          %mul3A_471 = vector.broadcast %squeeze3A_462 : f32 to vector<16xf32>
          %mul3A_472 = arith.mulf %mul3A_471, %get3A_470 : vector<16xf32>
          %add3A_473 = arith.addf %add3A_421, %mul3A_472 : vector<16xf32>
          %slice3A_474 = vector.extract_strided_slice %bitcast_convert_type3A_304 {offsets = [13], sizes = [1], strides = [1]} : vector<16xf32> to vector<1xf32>
          %squeeze3A_475 = vector.extract %slice3A_474[0] : f32 from vector<1xf32>
          %mul3A_476 = arith.constant 16 : i32
          %mul3A_477 = arith.muli %scan3A_284, %mul3A_476 : i32
          %add3A_478 = arith.constant 13 : i32
          %add3A_479 = arith.addi %mul3A_477, %add3A_478 : i32
          %mul3A_480 = arith.constant 16 : i32
          %mul3A_481 = arith.muli %add3A_479, %mul3A_480 : i32
          %get3A_482 = arith.index_cast %mul3A_481 : i32 to index
          %get3A_483 = tpu.vector_load %arg5[%get3A_482] {strides = array<i32>} : memref<12288xf32, #tpu.memory_space<vmem>>, vector<16xf32>,
          %mul3A_484 = vector.broadcast %squeeze3A_475 : f32 to vector<16xf32>
          %mul3A_485 = arith.mulf %mul3A_484, %get3A_483 : vector<16xf32>
          %add3A_486 = arith.addf %add3A_434, %mul3A_485 : vector<16xf32>
          %slice3A_487 = vector.extract_strided_slice %bitcast_convert_type3A_304 {offsets = [14], sizes = [1], strides = [1]} : vector<16xf32> to vector<1xf32>
          %squeeze3A_488 = vector.extract %slice3A_487[0] : f32 from vector<1xf32>
          %mul3A_489 = arith.constant 16 : i32
          %mul3A_490 = arith.muli %scan3A_284, %mul3A_489 : i32
          %add3A_491 = arith.constant 14 : i32
          %add3A_492 = arith.addi %mul3A_490, %add3A_491 : i32
          %mul3A_493 = arith.constant 16 : i32
          %mul3A_494 = arith.muli %add3A_492, %mul3A_493 : i32
          %get3A_495 = arith.index_cast %mul3A_494 : i32 to index
          %get3A_496 = tpu.vector_load %arg5[%get3A_495] {strides = array<i32>} : memref<12288xf32, #tpu.memory_space<vmem>>, vector<16xf32>,
          %mul3A_497 = vector.broadcast %squeeze3A_488 : f32 to vector<16xf32>
          %mul3A_498 = arith.mulf %mul3A_497, %get3A_496 : vector<16xf32>
          %add3A_499 = arith.addf %add3A_447, %mul3A_498 : vector<16xf32>
          %slice3A_500 = vector.extract_strided_slice %bitcast_convert_type3A_304 {offsets = [15], sizes = [1], strides = [1]} : vector<16xf32> to vector<1xf32>
          %squeeze3A_501 = vector.extract %slice3A_500[0] : f32 from vector<1xf32>
          %mul3A_502 = arith.constant 16 : i32
          %mul3A_503 = arith.muli %scan3A_284, %mul3A_502 : i32
          %add3A_504 = arith.constant 15 : i32
          %add3A_505 = arith.addi %mul3A_503, %add3A_504 : i32
          %mul3A_506 = arith.constant 16 : i32
          %mul3A_507 = arith.muli %add3A_505, %mul3A_506 : i32
          %get3A_508 = arith.index_cast %mul3A_507 : i32 to index
          %get3A_509 = tpu.vector_load %arg5[%get3A_508] {strides = array<i32>} : memref<12288xf32, #tpu.memory_space<vmem>>, vector<16xf32>,
          %mul3A_510 = vector.broadcast %squeeze3A_501 : f32 to vector<16xf32>
          %mul3A_511 = arith.mulf %mul3A_510, %get3A_509 : vector<16xf32>
          %add3A_512 = arith.addf %add3A_460, %mul3A_511 : vector<16xf32>
          scf.yield %add3A_473, %add3A_486, %add3A_499, %add3A_512 : vector<16xf32>, vector<16xf32>, vector<16xf32>, vector<16xf32>
        }
        %scan3A_46 = arith.constant 48 : i32
        %add3A_47 = arith.addf %scan3A_45#0, %scan3A_45#1 : vector<16xf32>
        %add3A_48 = arith.addf %scan3A_45#2, %scan3A_45#3 : vector<16xf32>
        %add3A_49 = arith.addf %add3A_47, %add3A_48 : vector<16xf32>
        %reduce_max3A = arith.constant true
        %reduce_max3A_50 = vector.broadcast %reduce_max3A : i1 to vector<16xi1>
        %reduce_max3A_51 = tpu.scan <max>, %add3A_49 masked %reduce_max3A_50 : vector<16xf32>, vector<16xi1> -> vector<16xf32>
        %reduce_max3A_52 = vector.extract %reduce_max3A_51[15] : f32 from vector<16xf32>
        %eq3A = vector.broadcast %reduce_max3A_52 : f32 to vector<16xf32>
        %eq3A_53 = arith.cmpf oeq, %add3A_49, %eq3A : vector<16xf32>
        %all_reduce_ffs3A = tpu.all_reduce %eq3A_53 {dim = 0 : i64, kind = #tpu.reduction_kind<find_first_set>} : vector<16xi1> -> vector<16xi32>
        %eq3A_54 = vector.broadcast %scan3A_34 : i32 to vector<16xi32>
        %eq3A_55 = arith.cmpi eq, %iota3A, %eq3A_54 : vector<16xi32>
        %select_n3A = arith.select %eq3A_55, %all_reduce_ffs3A, %scan3A_35 : vector<16xi1>, vector<16xi32>
        scf.yield %select_n3A : vector<16xi32>
      }
      %scan3A_29 = arith.constant 16 : i32
      %mul3A_30 = arith.constant 16 : i32
      %mul3A_31 = arith.muli %scan3A_21, %mul3A_30 : i32
      %swap3A = arith.index_cast %mul3A_31 : i32 to index
      %swap3A_32 = tpu.vector_load %arg7[%swap3A] {strides = array<i32>} : memref<32xi32, #tpu.memory_space<vmem>>, vector<16xi32>,
      tpu.vector_store %arg7[%swap3A], %scan3A_28 {strides = array<i32>} : memref<32xi32, #tpu.memory_space<vmem>>, vector<16xi32>,
      %scan3A_33 = arith.constant 0 : i32
      scf.yield %scan3A_33 : i32
    }
    %scan3A_17 = arith.constant 2 : i32
    %add3A_18 = arith.addi %mul3A_6, %mul3A_9 : i32
    "tpu.region"() ({
      %run_scoped3A = tpu.sem_alloc : memref<!tpu.dma_semaphore, #tpu.memory_space<semaphore_mem>>
      %dma_start3A = tpu.memref_slice %arg4[%add3A_18] : memref<1024xi32, #tpu.memory_space<hbm>> -> memref<32xi32, #tpu.memory_space<hbm>>
      %dma_start3A_21 = tpu.memref_slice %arg4[%add3A_18] : memref<1024xi32, #tpu.memory_space<hbm>> -> memref<32xi32, #tpu.memory_space<hbm>>
      tpu.enqueue_dma source(%arg7 : memref<32xi32, #tpu.memory_space<vmem>>) target(%dma_start3A_21 : memref<32xi32, #tpu.memory_space<hbm>>) target_semaphore(%run_scoped3A : memref<!tpu.dma_semaphore, #tpu.memory_space<semaphore_mem>>)
      %dma_wait3A = tpu.memref_slice %arg4[%add3A_18] : memref<1024xi32, #tpu.memory_space<hbm>> -> memref<32xi32, #tpu.memory_space<hbm>>
      %dma_wait3A_22 = tpu.memref_slice %arg4[%add3A_18] : memref<1024xi32, #tpu.memory_space<hbm>> -> memref<32xi32, #tpu.memory_space<hbm>>
      tpu.wait_dma2 semaphore(%run_scoped3A : memref<!tpu.dma_semaphore, #tpu.memory_space<semaphore_mem>>) src(%arg7 : memref<32xi32, #tpu.memory_space<vmem>>) dst(%dma_wait3A_22 : memref<32xi32, #tpu.memory_space<hbm>>)
      tpu.yield
    }) : () -> ()
    %scan3A_19 = arith.constant 0 : i32
    %scan3A_20 = arith.constant 1 : i32
    return
  }
}

module attributes {stable_mosaic.version = 14 : i64} {
  func.func @_tc_body(%arg0: i32, %arg1: memref<2048x768xf32, #tpu.memory_space<vmem>>, %arg2: memref<768x16xf32, #tpu.memory_space<vmem>>, %arg3: memref<2048xi32, #tpu.memory_space<vmem>>) attributes {dimension_semantics = [#tpu.dimension_semantics<arbitrary>], iteration_bounds = array<i64: 15>, scalar_prefetch = 0 : i64, scratch_operands = 0 : i64, tpu.core_type = #tpu.core_type<tc>, window_params = [{transform_indices = @transform_0, window_bounds = array<i64: 2048, 768>}, {pipeline_mode = #tpu.pipeline_mode<synchronous>, transform_indices = @transform_1, window_bounds = array<i64: 768, 16>}, {transform_indices = @transform_2, window_bounds = array<i64: 2048>}]} {
    %get3A = arith.constant 0 : index
    %get3A_0 = arith.constant 0 : index
    %get3A_1 = vector.load %arg2[%get3A, %get3A_0] : memref<768x16xf32, #tpu.memory_space<vmem>>, vector<768x16xf32>
    %get3A_2 = arith.constant 0 : index
    %get3A_3 = arith.constant 0 : index
    %get3A_4 = vector.load %arg1[%get3A_2, %get3A_3] : memref<2048x768xf32, #tpu.memory_space<vmem>>, vector<2048x768xf32>
    %dot_general3A = arith.constant dense<0.000000e+00> : vector<16x2048xf32>
    %dot_general3A_5 = tpu.matmul %get3A_1, %get3A_4, %dot_general3A {dimension_numbers = #tpu.dot_dimension_numbers<[0], [1], [1], [0], [0, 1, 1, 0], [], []>, transpose_lhs_hint = false} : vector<768x16xf32>, vector<2048x768xf32>, vector<16x2048xf32> -> vector<16x2048xf32>
    %reduce_max3A = arith.constant dense<0xFF800000> : vector<2048xf32>
    %reduce_max3A_6 = vector.multi_reduction <maximumf>, %dot_general3A_5, %reduce_max3A [0] : vector<16x2048xf32> to vector<2048xf32>
    %broadcast_in_dim3A = vector.shape_cast %reduce_max3A_6 : vector<2048xf32> to vector<1x2048xf32>
    %iota3A = tpu.iota {dimensions = array<i32: 0>} : vector<16x1xi32>
    %sub3A = arith.constant 15 : i32
    %sub3A_7 = vector.broadcast %sub3A : i32 to vector<16x1xi32>
    %sub3A_8 = arith.subi %sub3A_7, %iota3A : vector<16x1xi32>
    %shift_left3A = arith.constant 1 : i32
    %shift_left3A_9 = vector.broadcast %shift_left3A : i32 to vector<16x1xi32>
    %shift_left3A_10 = arith.shli %shift_left3A_9, %sub3A_8 : vector<16x1xi32>
    %convert_element_type3A = arith.sitofp %shift_left3A_10 : vector<16x1xi32> to vector<16x1xf32>
    %eq3A = vector.broadcast %broadcast_in_dim3A : vector<1x2048xf32> to vector<16x2048xf32>
    %eq3A_11 = arith.cmpf oeq, %dot_general3A_5, %eq3A : vector<16x2048xf32>
    %convert_element_type3A_12 = arith.extui %eq3A_11 : vector<16x2048xi1> to vector<16x2048xi32>
    %convert_element_type3A_13 = arith.sitofp %convert_element_type3A_12 : vector<16x2048xi32> to vector<16x2048xf32>
    %mul3A = vector.broadcast %convert_element_type3A : vector<16x1xf32> to vector<16x2048xf32>
    %mul3A_14 = arith.mulf %convert_element_type3A_13, %mul3A : vector<16x2048xf32>
    %reduce_sum3A = arith.constant dense<0.000000e+00> : vector<2048xf32>
    %reduce_sum3A_15 = vector.multi_reduction <add>, %mul3A_14, %reduce_sum3A [0] : vector<16x2048xf32> to vector<2048xf32>
    %bitcast_convert_type3A = tpu.bitcast %reduce_sum3A_15 : vector<2048xf32> -> vector<2048xi32>
    %shift_right_arithmetic3A = arith.constant 23 : i32
    %shift_right_arithmetic3A_16 = vector.broadcast %shift_right_arithmetic3A : i32 to vector<2048xi32>
    %shift_right_arithmetic3A_17 = arith.shrsi %bitcast_convert_type3A, %shift_right_arithmetic3A_16 : vector<2048xi32>
    %sub3A_18 = arith.constant 127 : i32
    %sub3A_19 = vector.broadcast %sub3A_18 : i32 to vector<2048xi32>
    %sub3A_20 = arith.subi %shift_right_arithmetic3A_17, %sub3A_19 : vector<2048xi32>
    %sub3A_21 = arith.constant 15 : i32
    %sub3A_22 = vector.broadcast %sub3A_21 : i32 to vector<2048xi32>
    %sub3A_23 = arith.subi %sub3A_22, %sub3A_20 : vector<2048xi32>
    %swap3A = arith.constant 0 : index
    %swap3A_24 = vector.load %arg3[%swap3A] : memref<2048xi32, #tpu.memory_space<vmem>>, vector<2048xi32>
    tpu.vector_store %arg3[%swap3A], %sub3A_23 {strides = array<i32>} : memref<2048xi32, #tpu.memory_space<vmem>>, vector<2048xi32>,
    return
  }
  func.func @transform_0(%arg0: i32) -> (i32, i32) {
    %c0_i32 = arith.constant 0 : i32
    %c0_i32_0 = arith.constant 0 : i32
    return %arg0, %c0_i32 : i32, i32
  }
  func.func @transform_1(%arg0: i32) -> (i32, i32) {
    %c0_i32 = arith.constant 0 : i32
    %c0_i32_0 = arith.constant 0 : i32
    %c0_i32_1 = arith.constant 0 : i32
    return %c0_i32, %c0_i32_0 : i32, i32
  }
  func.func @transform_2(%arg0: i32) -> i32 {
    %c0_i32 = arith.constant 0 : i32
    return %arg0 : i32
  }
}

</mosaic_0001>

<sc_bundles>
// kernel: kernel.4.cloned.1.call-start
scs
__scs_entry_jumppad:
0x0: {  	(pc) =	sbr.rel $0x88, $3  }
0x1: {  	(tag) =	ssettag $0x0;
	lr =	simm.s32 $0x1  }
0x2: {  	[smem:$0x3F9F] =	sst lr;
	_ =	strace $0xD0000000  }
0x3: {  	_ = 	snop  }
0x4: {  	_ = 	snop  }
0x5: {  	_ = 	snop  }
0x6: {  	_ = 	snop  }
0x7: {  	_ = 	snop  }
__scs_overlays_trampoline_lowered:
0x8: {  	[smem:$0x3FAE] =	sst s0  }
0x9: {  	[smem:$0x3FAF] =	sst s1  }
0xa: {  	[smem:$0x3FB0] =	sst s2  }
0xb: {  	[smem:$0x3FB1] =	sst s3  }
0xc: {  	[smem:$0x3FB2] =	sst s4  }
0xd: {  	[smem:$0x3FB3] =	sst s5  }
0xe: {  	[smem:$0x3FB4] =	sst s6  }
0xf: {  	[smem:$0x3FB5] =	sst s7  }
0x10: {  	[smem:$0x3FB6] =	sst s8  }
0x11: {  	[smem:$0x3FB7] =	sst s9;
	s0 =	simm.s32 @!p0 $0x0  }
0x12: {  	s1 =	sld [smem:$0x3F9D];
	s0 =	simm.s32 @p0 $0x1  }
0x13: {  	[smem:$0x3FB8] =	sst s0;
	s0 =	simm.s32 @!p1 $0x0  }
0x14: {  	s2 =	sld [smem:$0x3F9C];
	s0 =	simm.s32 @p1 $0x1  }
0x15: {  	[smem:$0x3FB9] =	sst s0;
	s0 =	simm.s32 @!p2 $0x0  }
0x16: {  	s3 =	sld [smem:$0x3FDB];
	s0 =	simm.s32 @p2 $0x1  }
0x17: {  	s4 =	simm.s32 $0x1BF5;
	[smem:$0x3FBB] =	sst s0  }
0x18: {  	s0 =	sld [smem:$0x3F9E];
	_ =	swait.ge [sflag:s4], $0x0  }
0x19: {  	s7 =	sld [smem:$0x3F9F]  }
0x1a: {  	s8 =	sadd.s32 $0xFFFFE003, lr  }
0x1b: {  	s9 =	sadd.s32 $0xFFFFFEF7, lr;
	s5 =	simm.s32 $0xFFFFFFFF;
	p2 =	slt.u32 s8, $0xFFFFF086  }
0x1c: {  	p1 =	slt.u32 s9, $0xF7A;
	s5 =	simm.s32 @!p2 $0x0  }
0x1d: {  	s5 =	simm.s32 @p1 $0x1;
	p0 =	seq.s32 s7, s2  }
0x1e: {  	s7 =	smul.u32 @!p0 $0xF7A, s2;
	p2 =	seq.s32 @!p0 s5, $0x0  }
0x1f: {  	s9 =	smul.u32 $0xF7A, s1;
	s8 =	simm.s32 @!p0 $0x1BF5;
	p2 =	por !p2, p0  }
0x20: {  	[sflag:s8] =	ssyncset.s32 @!p0 $0xFFFFF086;
	s6 =	sadd.s32 @!p0 s3, s7;
	s7 =	simm.s32 @!p0 $0x108  }
0x21: {  	s3 =	sadd.s32 s3, s9;
	s6 =	sadd.s32 @!p0 $0x88, s6;
	s7 =	simm.s32 @p2 $0x1082  }
0x22: {  	[simem:s7], [sflag:s8] =	dma.local @!p0 [hbm:s6], $0xF7A  }
0x23: {  	s9 =	sor.u32 $0xD0000000, s2;
	s6 =	simm.s32 $0x108;
	_ =	swait.ge @!p0 [sflag:s8], $0x0  }
0x24: {  	s3 =	sadd.s32 $0x88, s3;
	s6 =	simm.s32 @!p1 $0x1082;
	[sflag:s4] =	ssyncset.s32 $0xFFFFF086  }
0x25: {  	[simem:s6], [sflag:s4] =	dma.local [hbm:s3], $0xF7A  }
0x26: {  	[smem:$0x3F9F] =	sst s1;
	(tag) =	ssettag s2;
	_ =	strace s9  }
0x27: {  	s1 =	sld [smem:$0x3FAF]  }
0x28: {  	s2 =	sld [smem:$0x3FB0]  }
0x29: {  	s4 =	sld [smem:$0x3FB2]  }
0x2a: {  	p0 =	seq.s32 s5, $0x0;
	s5 =	sld [smem:$0x3FB3]  }
0x2b: {  	s6 =	sld [smem:$0x3FB4]  }
0x2c: {  	s7 =	sld [smem:$0x3FB5]  }
0x2d: {  	s3 =	simm.s32 $0x108;
	s8 =	sld [smem:$0x3FB6]  }
0x2e: {  	s3 =	simm.s32 @!p0 $0x1082;
	s9 =	sld [smem:$0x3FB7]  }
0x2f: {  	lr =	sadd.s32 s0, s3;
	s0 =	sld [smem:$0x3FAE]  }
0x30: {  	s3 =	sld [smem:$0x3FB1]  }
0x31: {  	[smem:$0x3FBA] =	sst s10  }
0x32: {  	s10 =	sld [smem:$0x3FB8];
	_ =	sdelay $0x3  }
0x33: {  	p0 =	seq.s32 s10, $0x1;
	s10 =	sld [smem:$0x3FBA];
	_ =	sdelay $0x3  }
0x34: {  	[smem:$0x3FBA] =	sst s10  }
0x35: {  	s10 =	sld [smem:$0x3FB9];
	_ =	sdelay $0x3  }
0x36: {  	p1 =	seq.s32 s10, $0x1;
	s10 =	sld [smem:$0x3FBA];
	_ =	sdelay $0x3  }
0x37: {  	[smem:$0x3FBA] =	sst s10  }
0x38: {  	s10 =	sld [smem:$0x3FBB]  }
0x39: {  	_ = 	snop;
	(pc) =	sbr.ind lr, $3  }
0x3a: {  	_ = 	snop  }
0x3b: {  	_ = 	snop  }
0x3c: {  	p2 =	seq.s32 s10, $0x1;
	s10 =	sld [smem:$0x3FBA]  }
0x3d: {  	_ =	shalt  }
0x3e: {  	_ =	shalt  }
0x3f: {  	_ =	shalt  }
0x40: {  	_ =	shalt  }
0x41: {  	_ =	shalt  }
0x42: {  	_ =	shalt  }
0x43: {  	_ =	shalt  }
0x44: {  	_ =	shalt  }
0x45: {  	_ =	shalt  }
0x46: {  	_ =	shalt  }
0x47: {  	_ =	shalt  }
0x48: {  	_ =	shalt  }
0x49: {  	_ =	shalt  }
0x4a: {  	_ =	shalt  }
0x4b: {  	_ =	shalt  }
0x4c: {  	_ =	shalt  }
0x4d: {  	_ =	shalt  }
0x4e: {  	_ =	shalt  }
0x4f: {  	_ =	shalt  }
0x50: {  	_ =	shalt  }
0x51: {  	_ =	shalt  }
0x52: {  	_ =	shalt  }
0x53: {  	_ =	shalt  }
0x54: {  	_ =	shalt  }
0x55: {  	_ =	shalt  }
0x56: {  	_ =	shalt  }
0x57: {  	_ =	shalt  }
0x58: {  	_ =	shalt  }
0x59: {  	_ =	shalt  }
0x5a: {  	_ =	shalt  }
0x5b: {  	_ =	shalt  }
0x5c: {  	_ =	shalt  }
0x5d: {  	_ =	shalt  }
0x5e: {  	_ =	shalt  }
0x5f: {  	_ =	shalt  }
0x60: {  	_ =	shalt  }
0x61: {  	_ =	shalt  }
0x62: {  	_ =	shalt  }
0x63: {  	_ =	shalt  }
0x64: {  	_ =	shalt  }
0x65: {  	_ =	shalt  }
0x66: {  	_ =	shalt  }
0x67: {  	_ =	shalt  }
0x68: {  	_ =	shalt  }
0x69: {  	_ =	shalt  }
0x6a: {  	_ =	shalt  }
0x6b: {  	_ =	shalt  }
0x6c: {  	_ =	shalt  }
0x6d: {  	_ =	shalt  }
0x6e: {  	_ =	shalt  }
0x6f: {  	_ =	shalt  }
0x70: {  	_ =	shalt  }
0x71: {  	_ =	shalt  }
0x72: {  	_ =	shalt  }
0x73: {  	_ =	shalt  }
0x74: {  	_ =	shalt  }
0x75: {  	_ =	shalt  }
0x76: {  	_ =	shalt  }
0x77: {  	_ =	shalt  }
0x78: {  	_ =	shalt  }
0x79: {  	_ =	shalt  }
0x7a: {  	_ =	shalt  }
0x7b: {  	_ =	shalt  }
0x7c: {  	_ =	shalt  }
0x7d: {  	_ =	shalt  }
0x7e: {  	_ =	shalt  }
0x7f: {  	_ =	shalt  }
0x80: {  	_ =	shalt  }
0x81: {  	_ =	shalt  }
0x82: {  	_ =	shalt  }
0x83: {  	_ =	shalt  }
0x84: {  	_ =	shalt  }
0x85: {  	_ =	shalt  }
0x86: {  	_ =	shalt  }
0x87: {  	_ =	shalt  }
.Lfunc_end0:
.L_simem_size_0:
called_computation_lowered:
.L_overlay_start_0:
0x88: {  	s2 =	sld [smem:$0x3FD9]  }
0x89: {  	s3 =	sld [smem:$0x3FFE];
	_ =	sdelay $0x1  }
0x8a: {  	s1 =	srdreg.scid  }
0x8b: {  	s0 =	sand.u32 $0x1, s1  }
0x8c: {  	s17 =	sshll.u32 s0, $0xA;
	s2 =	sadd.s32 s3, s2  }
0x8d: {  	s2 =	sadd.s32 s2, s17  }
0x8e: {  	[smem:$0x3FC6] =	sst s2  }
0x8f: {  	_ = 	snop  }
0x90: {  	s2 =	sld [smem:$0x3FC9]  }
0x91: {  	s18 =	sld [smem:$0x3FD0];
	(tm) =	ssettm $0x1  }
0x92: {  	s4 =	sld [smem:$0x3FFB];
	_ =	sdelay $0x3  }
0x93: {  	_ =	strace s4  }
0x94: {  	s4 =	sld [smem:$0x3FFC];
	_ =	sdelay $0x3  }
0x95: {  	_ =	strace s4  }
0x96: {  	s4 =	sld [smem:$0x3FFD];
	_ =	sdelay $0x3  }
0x97: {  	_ =	strace s4  }
0x98: {  	_ =	strace $0x8FFFFFFF  }
0x99: {  	s19 =	sld [smem:$0x3FDB];
	_ =	sdelay $0x1  }
0x9a: {  	s5 =	simm.s32 $_scs_section_size  }
0x9b: {  	s6 =	simm.s32 $_size__tile_overlayer_lowered;
	s7 =	simm.s32 $_tile_overlayer_lowered  }
0x9c: {  	s22 =	simm.s32 $0x1BFF;
	s21 =	sshll.u32 s7, $0x1;
	s4 =	sadd.s32 s5, s19  }
0x9d: {  	s8 =	simm.s32 $0x0;
	s20 =	sshll.u32 s6, $0x1;
	s6 =	sadd.s32 s21, s4  }
0x9e: {  	[timem:s8], [sflag:s22] =	dma.local [hbm:s6], s20  }
0x9f: {  	_ =	swait.ge [sflag:s22], s20  }
0xa0: {  	s5 =	ssub.s32 $0x0, s20;
	[sflag:s22] =	ssyncset.done $0x0  }
0xa1: {  	[sflag:s22] =	ssyncadd.s32 s5;
	_ =	sdelay $0x1  }
0xa2: {  	s23 =	simm.s32 $0x1B8B  }
0xa3: {  	_ =	swait.ge [sflag:s23], $0x1  }
0xa4: {  	[sflag:s23] =	ssyncset.done $0x0  }
0xa5: {  	s25 =	simm.s32 $0x1B8E;
	s24 =	sld [smem:$0x3FFE];
	[sflag:s23] =	ssyncadd.s32 $0xFFFFFFFF  }
0xa6: {  	s26 =	simm.s32 $execute0_lowered;
	[smem:$0x3FD2] =	sst s25  }
0xa7: {  	s6 =	sshll.u32 s26, $0x1;
	_ =	strace $0x80000046;
	[dreg:$0x1] =	wrdreg $0xFFFFFFFF  }
0xa8: {  	s28 =	simm.s32 $_size_execute0_lowered;
	s4 =	sadd.s32 s4, s6;
	[dreg:$0x0] =	wrdreg $0x0  }
0xa9: {  	s6 =	sshll.u32 s28, $0x1;
	[dreg:$0x2] =	wrdreg s4  }
0xaa: {  	[dreg:$0x3] =	wrdreg s6  }
0xab: {  	[dreg:$0x4] =	wrdreg $0xC0  }
0xac: {  	_ =	task [dreg:s8], $0x5FFFF  }
0xad: {  	[dreg:$0x1] =	wrdreg $0xFFFFFFFF  }
0xae: {  	[dreg:$0x0] =	wrdreg $0x60  }
0xaf: {  	[dreg:$0x2] =	wrdreg s2  }
0xb0: {  	[dreg:$0x3] =	wrdreg s18  }
0xb1: {  	[dreg:$0x4] =	wrdreg s24  }
0xb2: {  	[dreg:$0x5] =	wrdreg $0x9  }
0xb3: {  	_ =	task.clear_ibuf [dreg:s8], $0x6FFFF;
	_ =	strace $0x90000046  }
0xb4: {  	s29 =	simm.s32 $0x9;
	_ =	strace $0x80000048  }
0xb5: {  	_ =	swait.ge [sflag:s29], $0x1  }
0xb6: {  	[sflag:s29] =	ssyncadd.s32 $0xFFFFFFFF  }
0xb7: {  	_ =	strace $0x90000048  }
0xb8: {  	_ =	sfence  }
0xb9: {  	s30 =	sld [smem:$0x0];
	_ =	sdelay $0x2  }
0xba: {  	s31 =	sshll.u32 s1, $0xD;
	s1 =	sshrl.u32 s1, $0x2  }
0xbb: {  	s3 =	sand.u32 $0x4000, s31;
	s1 =	sadd.s32 s1, s30  }
0xbc: {  	s0 =	sor.u32 s3, s0;
	s1 =	sshll.u32 s1, $0x11  }
0xbd: {  	s0 =	sor.u32 s1, s0  }
0xbe: {  	s0 =	sadd.s32 $0x8F2B, s0  }
0xbf: {  	[sflag:s0] =	ssyncadd.remote.s32 $0x1  }
0xc0: {  	_ =	sfence.sel $0xFFFF  }
0xc1: {  	[dreg:$0x0] =	wrdreg $0xFFFFFFFF;
	(pc) =	sbr.abs _section_cstart, $3  }
0xc2: {  	[dreg:$0x1] =	wrdreg $0xFFFFFFFF  }
0xc3: {  	_ =	task.clear_ibuf [dreg:s8], $0x2FFFF;
	_ =	strace $0x9FFFFFFF  }
0xc4: {  	(tm) =	ssettm $0x7FFFFFFF  }
0xc5: {  	_ =	shalt  }
tec
execute0_lowered:
.L_overlay_start_1:
0x0: {  	(tag) =	ssettag $0x1  }
0x1: {  	s4 =	rddreg [dreg:$0x0]  }
0x2: {  	s1 =	srdreg.scid;
	s2 =	rddreg [dreg:$0x1]  }
0x3: {  	s0 =	stileid.u32;
	s6 =	rddreg [dreg:$0x2];
	s10 =	simm.s32 $0x0  }
0x4: {  	s12 =	simm.s32 $0x0;
	s5 =	sand.u32 $0x1, s1;
	s30 =	sshll.u32 s0, $0x3  }
0x5: {  	s1 =	rddreg [dreg:$0x3];
	s3 =	sshll.u32 s5, $0x2;
	s5 =	ssub.s32 $0x2, s5  }
0x6: {  	s7 =	sor.u32 s3, s30;
	s3 =	simm.s32 $0x0;
	s9 =	sshrl.u32 s5, $0x1  }
0x7: {  	s8 =	smul.u32 $0x300, s7;
	[smem:$0x7FF] =	sst s3;
	s6 =	sadd.s32 s7, s6  }
0x8: {  	s31 =	ssub.s32 s5, s9;
	s7 =	simm.s32 $0x1;
	s9 =	simm.s32 $0x9000  }
0x9: {  	_ =	strace $0x80000047;
	s5 =	sadd.s32 $0x600, s6;
	s4 =	sadd.s32 s8, s4  }
0xa: {  	v0 =	vlaneseq.u32;
	s6 =	smax.u32 s31, $0x1;
	s8 =	simm.s32 $0x3000;
	s4 =	sadd.s32 $0x2E8000, s4  }
.LBB2_1:
0xb: {  	[tilespmem:s3], [sflag:$0x1] =	stream.linear.gather [hbm4b:s2+s3], $0x3000, $0x38;
	[tilespmem:$0x9080] =	vst v63  }
0xc: {  	_ =	swait.ge [sflag:s7], $0x3000  }
0xd: {  	[sflag:s7] =	ssyncset.done $0x0  }
0xe: {  	[sflag:s7] =	ssyncadd.s32 $0xFFFFD000  }
0xf: {  	[tilespmem:s8], [sflag:$0x1] =	stream.linear.gather [hbm4b:s4+s3], $0x6000, $0x38;
	[tilespmem:$0x9080] =	vst v63  }
0x10: {  	_ =	swait.ge [sflag:s7], $0x6000  }
0x11: {  	[sflag:s7] =	ssyncset.done $0x0  }
0x12: {  	p1 =	por $0x1, $0x1;
	s11 =	simm.s32 $0x0;
	[sflag:s7] =	ssyncadd.s32 $0xFFFFA000  }
.LBB2_2:
0x13: {  	p0 =	por p1, p1;
	s11 =	sshll.u32 s11, $0x4;
	v1 =	vimm.s32 $0x0;
	s13 =	simm.s32 $0x0  }
.LBB2_3:
0x14: {  	s14 =	sadd.s32 s11, s13  }
0x15: {  	s15 =	sshll.u32 s13, $0x7;
	s14 =	sshrl.u32 s14, $0x3  }
0x16: {  	s15 =	sand.u32 $0x380, s15;
	s14 =	smul.u32 $0x6000, s14  }
0x17: {  	v2 =	vmov s15  }
0x18: {  	s14 =	sshra.s32 s14, $0x2  }
0x19: {  	s25 =	sand.u32 $0x1C00, s12;
	s14 =	sadd.s32 $0x3000, s14  }
0x1a: {  	s16 =	sand.u32 $0x60, s12;
	s15 =	sadd.s32 s25, s14  }
0x1b: {  	s17 =	simm.s32 $0x10;
	s16 =	sadd.s32 s16, s15  }
0x1c: {  	s17 =	sand.u32 $0x70, s17;
	v3 =	vld.idx.msk [tilespmem:v2+s16+$0x0 ss:$0x1], $0xffff  }
0x1d: {  	s15 =	sadd.s32 s17, s15  }
0x1e: {  	v4 =	vld.idx.msk [tilespmem:v2+s15+$0x0 ss:$0x1], $0xffff  }
0x1f: {  	s26 =	simm.s32 $0x100  }
0x20: {  	v5 =	vld [tilespmem:s26+$0x80]  }
0x21: {  	v6 =	vld [tilespmem:s26+$0xD0];
	v7 =	vshrl.u32 v3, $0x10  }
0x22: {  	v8 =	vld [tilespmem:s26+$0xF0];
	v7 =	vand.u32 $0x1, v7  }
0x23: {  	v10 =	vld [tilespmem:s26+$0xFFFFFF20];
	v9 =	vshrl.u32 v4, $0x10;
	v3 =	vadd.s32 v7, v3  }
0x24: {  	v11 =	vld [tilespmem:s26+$0x90];
	v9 =	vand.u32 $0x1, v9;
	v3 =	vadd.s32 $0x7FFF, v3  }
0x25: {  	v12 =	vld [tilespmem:s26+$0xE0];
	v4 =	vadd.s32 v9, v4;
	v9 =	vand.u32 $0xFFFF0000, v3  }
0x26: {  	v14 =	vld [tilespmem:s26+$0xFFFFFF60];
	v3 =	vadd.s32 $0x7FFF, v4;
	v4 =	vbroadcast v9, $0x0  }
0x27: {  	v15 =	vld [tilespmem:s26+$0xFFFFFFB0];
	v13 =	vand.u32 $0xFFFF0000, v3;
	v3 =	vbroadcast v9, $0x2;
	v23 =	vbroadcast v9, $0x5  }
0x28: {  	v17 =	vld [tilespmem:s26+$0xFFFFFF30];
	v26 =	vbroadcast v9, $0x1;
	v29 =	vbroadcast v9, $0xA  }
0x29: {  	v18 =	vld [tilespmem:s26+$0x40];
	v33 =	vbroadcast v9, $0xE;
	v35 =	vbroadcast v9, $0x8  }
0x2a: {  	v20 =	vld [tilespmem:s26+$0xFFFFFFF0];
	v37 =	vbroadcast v9, $0xF;
	v43 =	vbroadcast v9, $0xB  }
0x2b: {  	v24 =	vld [tilespmem:s26+$0xFFFFFFE0];
	v58 =	vbroadcast v9, $0xC;
	v16 =	vbroadcast v13, $0xF  }
0x2c: {  	v7 =	vld [tilespmem:s26+$0xFFFFFF00];
	v21 =	vbroadcast v13, $0xB;
	v22 =	vbroadcast v13, $0xC  }
0x2d: {  	v27 =	vld [tilespmem:s26+$0xFFFFFF80];
	v19 =	vbroadcast v13, $0xE;
	v25 =	vbroadcast v13, $0x9  }
0x2e: {  	v32 =	vld [tilespmem:s26+$0xFFFFFFC0];
	v28 =	vbroadcast v13, $0x8;
	v38 =	vbroadcast v13, $0x2  }
0x2f: {  	v31 =	vld [tilespmem:s26+$0xFFFFFFA0];
	v39 =	vbroadcast v13, $0x3;
	v40 =	vbroadcast v13, $0x0  }
0x30: {  	v30 =	vld [tilespmem:s26+$0x20];
	v42 =	vbroadcast v13, $0xA;
	v46 =	vbroadcast v13, $0x1  }
0x31: {  	v34 =	vld [tilespmem:s26+$0xA0];
	v7 =	vmul.f32 v4, v7;
	v4 =	vbroadcast v13, $0xD  }
0x32: {  	v36 =	vld [tilespmem:s26+$0xFFFFFFD0];
	v10 =	vmul.f32 v3, v10;
	v37 =	vmul.f32 v20, v37  }
0x33: {  	v41 =	vld [tilespmem:s26+$0x10];
	v20 =	vbroadcast v9, $0x9;
	v32 =	vmul.f32 v32, v58  }
0x34: {  	v44 =	vld [tilespmem:s26+$0x30];
	v29 =	vmul.f32 v31, v29;
	v31 =	vbroadcast v13, $0x7  }
0x35: {  	v45 =	vld [tilespmem:s26+$0xFFFFFF90];
	v3 =	vmul.f32 v8, v16;
	v8 =	vbroadcast v9, $0x6  }
0x36: {  	v59 =	vld [tilespmem:s26+$0xFFFFFF10];
	v19 =	vmul.f32 v12, v19;
	v12 =	vbroadcast v9, $0x4  }
0x37: {  	v60 =	vld [tilespmem:s26+$0xB0];
	v4 =	vmul.f32 v6, v4;
	v6 =	vbroadcast v9, $0x3  }
0x38: {  	v16 =	vld [tilespmem:s26+$0x0];
	v25 =	vmul.f32 v11, v25;
	v11 =	vbroadcast v9, $0xD  }
0x39: {  	v47 =	vmul.f32 v34, v42;
	v6 =	vmul.f32 v6, v17;
	v17 =	vld [tilespmem:s26+$0xFFFFFF50]  }
0x3a: {  	v63 =	vld [tilespmem:s26+$0x70];
	v46 =	vmul.f32 v46, v41;
	v39 =	vmul.f32 v39, v44  }
0x3b: {  	s28 =	simm.s32 $0x100;
	v49 =	vmul.f32 v5, v28;
	v36 =	vmul.f32 v36, v11;
	v11 =	vld [tilespmem:s26+$0xFFFFFF70]  }
0x3c: {  	v61 =	vimm.f32 $0.0e+00;
	s29 =	sand.u32 $0x1C00, s28;
	s16 =	simm.s32 $0x20;
	v62 =	vmul.f32 v45, v20;
	v20 =	vld [tilespmem:s26+$0xC0];
	v9 =	vbroadcast v9, $0x7  }
0x3d: {  	s17 =	sadd.s32 s29, s14;
	s18 =	sand.u32 $0x60, s16;
	v10 =	vadd.f32 v10, v61;
	v8 =	vmul.f32 v14, v8;
	v40 =	vmul.f32 v40, v16;
	v16 =	vld [tilespmem:s26+$0xFFFFFF40]  }
0x3e: {  	s30 =	sadd.s32 s18, s17;
	v14 =	vld [tilespmem:s26+$0x60];
	v23 =	vmul.f32 v17, v23;
	v17 =	vbroadcast v13, $0x4  }
0x3f: {  	s15 =	simm.s32 $0x300;
	v52 =	vmul.f32 v60, v21;
	v21 =	vmul.f32 v38, v30;
	v8 =	vadd.f32 v8, v10;
	v10 =	vld.idx.msk [tilespmem:v2+s30+$0x0 ss:$0x1], $0xffff  }
0x40: {  	s19 =	simm.s32 $0x30;
	v50 =	vld [tilespmem:s15+$0x0];
	v11 =	vmul.f32 v11, v9;
	v45 =	vmul.f32 v17, v18  }
0x41: {  	s31 =	sand.u32 $0x70, s19;
	v6 =	vadd.f32 v6, v61;
	v17 =	vld [tilespmem:s26+$0x50];
	v18 =	vmul.f32 v15, v43;
	v15 =	vbroadcast v13, $0x6  }
0x42: {  	v53 =	vld [tilespmem:s15+$0xFFFFFFF0];
	s17 =	sadd.s32 s31, s17;
	v7 =	vadd.f32 v7, v61;
	v8 =	vadd.f32 v29, v8;
	v12 =	vmul.f32 v12, v16  }
0x43: {  	v54 =	vmul.f32 v20, v22;
	v6 =	vadd.f32 v11, v6;
	v48 =	vmul.f32 v14, v15;
	v14 =	vld.idx.msk [tilespmem:v2+s17+$0x0 ss:$0x1], $0xffff  }
0x44: {  	v56 =	vld [tilespmem:s15+$0xFFFFFFD0];
	v13 =	vbroadcast v13, $0x5;
	v7 =	vadd.f32 v7, v12;
	v12 =	vshrl.u32 v10, $0x10  }
0x45: {  	v5 =	vld [tilespmem:s15+$0x80];
	v43 =	vmul.f32 v63, v31;
	v15 =	vmul.f32 v26, v59;
	v12 =	vand.u32 $0x1, v12  }
0x46: {  	v30 =	vld [tilespmem:s15+$0xE0];
	v10 =	vadd.s32 v12, v10;
	v26 =	vmul.f32 v17, v13;
	v17 =	vmul.f32 v24, v33  }
0x47: {  	v42 =	vld [tilespmem:s15+$0xFFFFFF90];
	v6 =	vadd.f32 v18, v6;
	v24 =	vmul.f32 v27, v35;
	v9 =	vadd.s32 $0x7FFF, v10  }
0x48: {  	v27 =	vld [tilespmem:s15+$0xFFFFFF20];
	v20 =	vshrl.u32 v14, $0x10;
	v28 =	vadd.f32 v17, v8;
	v8 =	vand.u32 $0xFFFF0000, v9  }
0x49: {  	v12 =	vld [tilespmem:s15+$0xFFFFFF00];
	v7 =	vadd.f32 v24, v7;
	v24 =	vbroadcast v8, $0x2;
	v57 =	vbroadcast v8, $0x3  }
0x4a: {  	v29 =	vld [tilespmem:s15+$0xFFFFFF60];
	v20 =	vand.u32 $0x1, v20;
	v59 =	vbroadcast v8, $0x5;
	v34 =	vbroadcast v8, $0xA  }
0x4b: {  	v38 =	vld [tilespmem:s15+$0xFFFFFF40];
	v55 =	vbroadcast v8, $0xD;
	v51 =	vbroadcast v8, $0xC;
	v14 =	vadd.s32 v20, v14  }
0x4c: {  	v44 =	vld [tilespmem:s15+$0xFFFFFF10];
	v9 =	vadd.s32 $0x7FFF, v14;
	v14 =	vadd.f32 v15, v61;
	v15 =	vbroadcast v8, $0x0  }
0x4d: {  	v16 =	vld [tilespmem:s15+$0xF0];
	v27 =	vmul.f32 v24, v27;
	v24 =	vbroadcast v8, $0x6;
	v9 =	vand.u32 $0xFFFF0000, v9  }
0x4e: {  	v13 =	vld [tilespmem:s15+$0xD0];
	v7 =	vadd.f32 v32, v7;
	v31 =	vbroadcast v9, $0xF;
	v17 =	vmul.f32 v15, v12  }
0x4f: {  	v22 =	vld [tilespmem:s15+$0x90];
	v58 =	vadd.f32 v21, v28;
	v11 =	vbroadcast v9, $0xD;
	v28 =	vmul.f32 v29, v24  }
0x50: {  	v12 =	vadd.f32 v14, v23;
	v23 =	vld [tilespmem:s15+$0xFFFFFF30];
	v60 =	vbroadcast v9, $0xE;
	v61 =	vbroadcast v9, $0x9  }
0x51: {  	v18 =	vld [tilespmem:s15+$0xFFFFFF80];
	v33 =	vadd.f32 v48, v58;
	v29 =	vbroadcast v8, $0x1;
	v24 =	vbroadcast v9, $0x8  }
0x52: {  	v10 =	vld [tilespmem:s15+$0xFFFFFFB0];
	v40 =	vadd.f32 v40, v7;
	v41 =	vbroadcast v9, $0x4;
	v48 =	vbroadcast v9, $0x3  }
0x53: {  	v35 =	vld [tilespmem:s15+$0x30];
	v15 =	vmul.f32 v16, v31;
	v13 =	vmul.f32 v13, v11;
	v31 =	vadd.f32 v62, v12  }
0x54: {  	v20 =	vld [tilespmem:s15+$0x40];
	v11 =	vbroadcast v9, $0xB;
	v12 =	vbroadcast v9, $0xC;
	v62 =	vadd.f32 v37, v6  }
0x55: {  	v6 =	vmul.f32 v30, v60;
	v36 =	vadd.f32 v36, v31;
	v31 =	vmul.f32 v57, v23;
	v23 =	vld [tilespmem:s15+$0xFFFFFF50]  }
0x56: {  	v21 =	vld [tilespmem:s15+$0x20];
	v40 =	vadd.f32 v40, v45;
	v37 =	vbroadcast v8, $0x4;
	v7 =	vmul.f32 v22, v61  }
0x57: {  	v45 =	vld [tilespmem:s15+$0xA0];
	v22 =	vadd.f32 v47, v33;
	v30 =	vbroadcast v8, $0xE;
	v33 =	vbroadcast v8, $0x8  }
0x58: {  	v32 =	vld [tilespmem:s15+$0xFFFFFFA0];
	v47 =	vbroadcast v8, $0xB;
	v60 =	vbroadcast v9, $0x1  }
0x59: {  	v14 =	vld [tilespmem:s15+$0xFFFFFFE0];
	v58 =	vadd.f32 v49, v40;
	v49 =	vbroadcast v9, $0xA;
	v39 =	vadd.f32 v39, v62  }
0x5a: {  	v61 =	vadd.f32 v19, v22;
	v63 =	vadd.f32 v46, v36;
	v23 =	vmul.f32 v23, v59;
	v59 =	vld [tilespmem:s15+$0x10]  }
0x5b: {  	v57 =	vbroadcast v8, $0xF;
	v46 =	vld [tilespmem:s15+$0xFFFFFFC0];
	v36 =	vbroadcast v9, $0x2;
	v39 =	vadd.f32 v43, v39  }
0x5c: {  	v16 =	vld [tilespmem:s15+$0x60];
	v19 =	vmul.f32 v45, v49;
	v40 =	vadd.f32 v63, v26;
	v26 =	vbroadcast v9, $0x0  }
0x5d: {  	v43 =	vld [tilespmem:s15+$0xFFFFFF70];
	v49 =	vadd.f32 v27, v61;
	v27 =	vmul.f32 v53, v57;
	v53 =	vadd.f32 v52, v39  }
0x5e: {  	v45 =	vld [tilespmem:s15+$0x70];
	v52 =	vbroadcast v8, $0x9;
	v39 =	vadd.f32 v54, v58;
	v22 =	vmul.f32 v26, v50  }
0x5f: {  	s19 =	simm.s32 $0x500;
	s18 =	simm.s32 $0x200;
	s17 =	simm.s32 $0x2;
	v26 =	vmul.f32 v56, v55;
	v50 =	vadd.f32 v25, v40;
	v40 =	vld [tilespmem:s15+$0xB0];
	v25 =	vmul.f32 v60, v59  }
.LBB2_4:
0x60: {  	s20 =	sand.u32 $0x1C00, s18;
	v54 =	vld [tilespmem:s19+$0x80];
	s17 =	sadd.s32 $0x2, s17;
	v46 =	vmul.f32 v46, v51;
	v35 =	vmul.f32 v48, v35;
	s16 =	sadd.s32 $0x20, s16;
	v48 =	vadd.f32 v3, v53;
	v3 =	vmovc v15  }
0x61: {  	v41 =	vmul.f32 v41, v20;
	v50 =	vadd.f32 v4, v50;
	v4 =	vmovc v13;
	s21 =	sand.u32 $0x60, s16;
	s20 =	sadd.s32 s20, s14;
	s22 =	sadd.s32 $0x10, s16;
	v42 =	vmul.f32 v42, v52;
	v15 =	vld [tilespmem:s15+$0x50]  }
0x62: {  	v13 =	vadd.f32 v28, v49;
	v47 =	vmul.f32 v10, v47;
	v10 =	vbroadcast v9, $0x6;
	p1 =	slt.u32 s17, $0x2E;
	s21 =	sadd.s32 s21, s20;
	s22 =	sand.u32 $0x70, s22;
	v20 =	vld [tilespmem:s15+$0xC0]  }
0x63: {  	v32 =	vmul.f32 v32, v34;
	v34 =	vbroadcast v9, $0x7;
	v31 =	vadd.f32 v31, v48;
	s15 =	smov.u32 s19;
	v28 =	vld.idx.msk [tilespmem:v2+s21+$0x0 ss:$0x1], $0xffff;
	s20 =	sadd.s32 s22, s20  }
0x64: {  	v9 =	vbroadcast v9, $0x5;
	v17 =	vadd.f32 v17, v39;
	v49 =	vmul.f32 v16, v10;
	v48 =	vld.idx.msk [tilespmem:v2+s20+$0x0 ss:$0x1], $0xffff  }
0x65: {  	v51 =	vmul.f32 v5, v24;
	v10 =	vmul.f32 v37, v38;
	v13 =	vadd.f32 v32, v13;
	v5 =	vmovc v54  }
0x66: {  	v16 =	vmul.f32 v29, v44;
	v24 =	vld [tilespmem:s19+$0xD0];
	v52 =	vmul.f32 v15, v9  }
0x67: {  	v17 =	vadd.f32 v17, v10;
	v40 =	vmul.f32 v40, v11;
	v15 =	vld [tilespmem:s19+$0xF0];
	v39 =	vmul.f32 v20, v12  }
0x68: {  	v8 =	vbroadcast v8, $0x7;
	v45 =	vmul.f32 v45, v34;
	v44 =	vld [tilespmem:s19+$0x90]  }
0x69: {  	v11 =	vmul.f32 v14, v30;
	v12 =	vmul.f32 v36, v21;
	v9 =	vshrl.u32 v28, $0x10;
	v37 =	vld [tilespmem:s19+$0xE0]  }
0x6a: {  	v18 =	vmul.f32 v18, v33;
	v9 =	vand.u32 $0x1, v9;
	v14 =	vshrl.u32 v48, $0x10;
	v10 =	vld [tilespmem:s19+$0xFFFFFFB0]  }
0x6b: {  	v9 =	vadd.s32 v9, v28;
	v14 =	vand.u32 $0x1, v14;
	v28 =	vmul.f32 v43, v8;
	v21 =	vld [tilespmem:s19+$0xFFFFFF00]  }
0x6c: {  	v30 =	vadd.f32 v11, v13;
	v8 =	vadd.s32 $0x7FFF, v9;
	v9 =	vadd.s32 v14, v48;
	v29 =	vld [tilespmem:s19+$0xFFFFFF20]  }
0x6d: {  	v11 =	vadd.f32 v16, v50;
	v8 =	vand.u32 $0xFFFF0000, v8;
	v9 =	vadd.s32 $0x7FFF, v9;
	v20 =	vld [tilespmem:s19+$0x40]  }
0x6e: {  	v14 =	vadd.f32 v18, v17;
	v13 =	vbroadcast v8, $0x0;
	v9 =	vand.u32 $0xFFFF0000, v9;
	v50 =	vld [tilespmem:s19+$0x0]  }
0x6f: {  	v31 =	vadd.f32 v28, v31;
	v16 =	vbroadcast v8, $0x2;
	v32 =	vbroadcast v9, $0xF;
	v18 =	vld [tilespmem:s19+$0xFFFFFF60]  }
0x70: {  	v11 =	vadd.f32 v11, v23;
	v17 =	vmul.f32 v13, v21;
	v53 =	vld [tilespmem:s19+$0xFFFFFFF0];
	v13 =	vbroadcast v9, $0xD  }
0x71: {  	v33 =	vadd.f32 v46, v14;
	v15 =	vmul.f32 v15, v32;
	v54 =	vmul.f32 v16, v29;
	v23 =	vld [tilespmem:s19+$0xFFFFFF30]  }
0x72: {  	v21 =	vbroadcast v8, $0x6;
	v16 =	vld [tilespmem:s19+$0x60];
	v13 =	vmul.f32 v24, v13;
	v24 =	vadd.f32 v42, v11  }
0x73: {  	v30 =	vadd.f32 v12, v30;
	v29 =	vbroadcast v8, $0x3;
	v11 =	vbroadcast v9, $0xB;
	v14 =	vld [tilespmem:s19+$0xFFFFFFE0]  }
0x74: {  	v12 =	vbroadcast v9, $0xC;
	v32 =	vadd.f32 v47, v31;
	v28 =	vmul.f32 v18, v21;
	v18 =	vld [tilespmem:s19+$0xFFFFFF80]  }
0x75: {  	v36 =	vbroadcast v8, $0x5;
	v38 =	vbroadcast v9, $0xE;
	v26 =	vadd.f32 v26, v24;
	v21 =	vld [tilespmem:s19+$0x20]  }
0x76: {  	v43 =	vbroadcast v9, $0x9;
	v27 =	vadd.f32 v27, v32;
	v31 =	vmul.f32 v29, v23;
	v23 =	vld [tilespmem:s19+$0xFFFFFF50]  }
0x77: {  	v30 =	vadd.f32 v49, v30;
	v24 =	vbroadcast v9, $0x8;
	v29 =	vbroadcast v8, $0x1;
	v32 =	vld [tilespmem:s19+$0xFFFFFFA0]  }
0x78: {  	v34 =	vbroadcast v8, $0xA;
	v22 =	vadd.f32 v22, v33;
	v49 =	vmul.f32 v37, v38;
	v42 =	vld [tilespmem:s19+$0xFFFFFF90]  }
0x79: {  	v19 =	vadd.f32 v19, v30;
	v37 =	vbroadcast v8, $0x4;
	v55 =	vmul.f32 v44, v43;
	v38 =	vld [tilespmem:s19+$0xFFFFFF40]  }
0x7a: {  	v56 =	vbroadcast v8, $0xD;
	v30 =	vbroadcast v8, $0xE;
	v22 =	vadd.f32 v22, v41;
	v46 =	vld [tilespmem:s19+$0xFFFFFFC0]  }
0x7b: {  	v41 =	vbroadcast v9, $0x4;
	v25 =	vadd.f32 v25, v26;
	v23 =	vmul.f32 v23, v36;
	v57 =	vld [tilespmem:s19+$0xA0]  }
0x7c: {  	v58 =	vbroadcast v8, $0xF;
	v33 =	vbroadcast v8, $0x8;
	v59 =	vadd.f32 v51, v22;
	v26 =	vld [tilespmem:s19+$0xFFFFFFD0]  }
0x7d: {  	v48 =	vbroadcast v9, $0x3;
	v25 =	vadd.f32 v25, v52;
	v36 =	vbroadcast v9, $0x2;
	v44 =	vld [tilespmem:s19+$0xFFFFFF10]  }
0x7e: {  	v22 =	vbroadcast v9, $0x0;
	v51 =	vbroadcast v9, $0xA;
	v27 =	vadd.f32 v35, v27;
	v60 =	vld [tilespmem:s19+$0x10]  }
.Ltmp0:
0x7f: {  	v61 =	vbroadcast v9, $0x1;
	v47 =	vbroadcast v8, $0xB;
	v52 =	vadd.f32 v6, v19;
	v6 =	vmovc v49;
	v35 =	vld [tilespmem:s19+$0x30];
	(pc) =	sbr.rel @p1 .LBB2_4-.Ltmp0, $4  }
0x80: {  	v22 =	vmul.f32 v22, v50;
	v43 =	vld [tilespmem:s19+$0xFFFFFF70];
	v19 =	vmul.f32 v57, v51;
	v57 =	vadd.f32 v45, v27  }
0x81: {  	v50 =	vadd.f32 v7, v25;
	v7 =	vmovc v55;
	v51 =	vbroadcast v8, $0xC;
	v26 =	vmul.f32 v26, v56  }
0x82: {  	v49 =	vadd.f32 v54, v52;
	v27 =	vmul.f32 v53, v58;
	v45 =	vld [tilespmem:s19+$0x70];
	v53 =	vadd.f32 v40, v57  }
0x83: {  	s18 =	sadd.s32 $0x100, s18;
	v39 =	vadd.f32 v39, v59;
	v52 =	vbroadcast v8, $0x9;
	s19 =	sadd.s32 $0x200, s19;
	v25 =	vmul.f32 v61, v60;
	v40 =	vld [tilespmem:s15+$0xB0]  }
0x84: {  	v2 =	vmul.f32 v46, v51  }
0x85: {  	v35 =	vmul.f32 v48, v35;
	v3 =	vadd.f32 v3, v53;
	v20 =	vmul.f32 v41, v20  }
0x86: {  	v4 =	vadd.f32 v4, v50;
	v10 =	vmul.f32 v10, v47;
	v29 =	vmul.f32 v29, v44  }
0x87: {  	v28 =	vadd.f32 v28, v49;
	v8 =	vbroadcast v8, $0x7;
	v53 =	vbroadcast v9, $0x6  }
0x88: {  	v37 =	vmul.f32 v37, v38;
	v54 =	vmul.f32 v32, v34;
	v17 =	vadd.f32 v17, v39  }
0x89: {  	v3 =	vadd.f32 v31, v3;
	v8 =	vmul.f32 v43, v8;
	v4 =	vadd.f32 v29, v4  }
0x8a: {  	v18 =	vmul.f32 v18, v33;
	v56 =	vbroadcast v9, $0x7;
	v17 =	vadd.f32 v17, v37  }
0x8b: {  	v42 =	vmul.f32 v42, v52;
	v3 =	vadd.f32 v8, v3;
	v4 =	vadd.f32 v4, v23  }
0x8c: {  	v55 =	vld [tilespmem:s15+$0x50];
	v14 =	vmul.f32 v14, v30;
	v57 =	vadd.f32 v54, v28;
	v17 =	vadd.f32 v18, v17  }
0x8d: {  	v58 =	vbroadcast v9, $0x5;
	v4 =	vadd.f32 v42, v4;
	v3 =	vadd.f32 v10, v3  }
0x8e: {  	v59 =	vmul.f32 v36, v21;
	v8 =	vadd.f32 v14, v57;
	v2 =	vadd.f32 v2, v17  }
0x8f: {  	v60 =	vld [tilespmem:s15+$0xC0];
	v16 =	vmul.f32 v16, v53;
	v4 =	vadd.f32 v26, v4;
	v3 =	vadd.f32 v27, v3  }
0x90: {  	v61 =	vmul.f32 v45, v56;
	v8 =	vadd.f32 v59, v8;
	v2 =	vadd.f32 v22, v2  }
0x91: {  	v9 =	vmul.f32 v55, v58;
	v4 =	vadd.f32 v25, v4;
	v3 =	vadd.f32 v35, v3  }
0x92: {  	v5 =	vmul.f32 v5, v24;
	v8 =	vadd.f32 v16, v8;
	v2 =	vadd.f32 v2, v20  }
0x93: {  	v11 =	vmul.f32 v40, v11;
	v4 =	vadd.f32 v4, v9;
	v3 =	vadd.f32 v61, v3  }
0x94: {  	v62 =	vmul.f32 v60, v12;
	v8 =	vadd.f32 v19, v8;
	v2 =	vadd.f32 v5, v2  }
0x95: {  	v4 =	vadd.f32 v7, v4;
	v3 =	vadd.f32 v11, v3  }
0x96: {  	v63 =	vadd.f32 v6, v8;
	v2 =	vadd.f32 v62, v2  }
0x97: {  	v3 =	vadd.f32 v15, v3;
	v4 =	vadd.f32 v13, v4;
	_ =	sdelay $0x1  }
0x98: {  	v2 =	vadd.f32 v4, v2;
	v3 =	vadd.f32 v3, v63;
	_ =	sdelay $0x1  }
0x99: {  	v2 =	vadd.f32 v3, v2;
	_ =	sdelay $0x1  }
0x9a: {  	(xrf0) =	vmax.scan.msk.f32 $0xffff, v2;
	_ =	sdelay $0x5  }
0x9b: {  	v3, _, _ =	vpop (xrf0)  }
0x9c: {  	v3 =	vbroadcast v3, $0xF;
	_ =	sdelay $0x1  }
0x9d: {  	vm0 =	veq.f32 v2, v3;
	v2 =	vmov s13;
	s13 =	sadd.s32 $0x1, s13  }
0x9e: {  	p1 =	sne.s32 s13, $0x10  }
.Ltmp1:
0x9f: {  	_ = 	snop;
	(pc) =	sbr.rel @p1 .LBB2_3-.Ltmp1, $4  }
0xa0: {  	_ = 	snop  }
0xa1: {  	v3 =	vmctz.xlane vm0  }
0xa2: {  	vm15 =	veq.s32 v2, v0  }
0xa3: {  	v1 =	vsel vm15, v3, v1  }
.Ltmp2:
0xa4: {  	(pc) =	sbr.rel @p0 .LBB2_2-.Ltmp2, $3  }
0xa5: {  	_ =	sdelay $0x1  }
0xa6: {  	s11 =	sand.u32 $0x3FFFFFF0, s11  }
0xa7: {  	p1 =	por $0x0, $0x0;
	[tilespmem:s11+$0x9000] =	vst v1;
	s11 =	simm.s32 $0x1  }
0xa8: {  	s10 =	sadd.s32 $0x1, s10  }
0xa9: {  	p0 =	sne.s32 s10, s6  }
.Ltmp3:
0xaa: {  	_ = 	snop;
	(pc) =	sbr.rel @p0 .LBB2_1-.Ltmp3, $4  }
0xab: {  	[hbm4b:s5+s3] =	stream.linear.scatter [tilespmem:s9], [sflag:$0x1], $0x20, $0x38;
	[tilespmem:$0x9080] =	vst v63  }
0xac: {  	_ =	swait.ge [sflag:s7], $0x20  }
0xad: {  	[sflag:s7] =	ssyncset.done $0x0  }
0xae: {  	[sflag:s7] =	ssyncadd.s32 $0xFFFFFFE0  }
0xaf: {  	_ =	sfence.sel $0x180000  }
0xb0: {  	[bflag:$0x0] =	sbarrier.arrive $0xFFFF  }
0xb1: {  	p0 =	sne.s32 s0, $0x0;
	_ =	strace $0x90000047  }
0xb2: {  	s0 =	sadd.s32 @!p0 $0x100000, s1;
	[bflag:$0x2] =	sbarrier.arrive $0xFFFF  }
0xb3: {  	[sflag:s0] =	ssyncadd.tile.s32 @!p0 $0x1;
	_ =	shalt  }
.Lfunc_end2:
_tile_overlayer_lowered:
.L_overlay_start_2:
0xb4: {  	(tag) =	ssettag $0x2  }
0xb5: {  	s0 =	rddreg [dreg:$0x0];
	s2 =	stileid.u32  }
0xb6: {  	s1 =	rddreg [dreg:$0x1];
	p0 =	sne.s32 s2, $0x0  }
0xb7: {  	s3 =	rddreg [dreg:$0x2];
	[bflag:$0x3] =	sbarrier.arrive $0xFFFF;
	s2 =	simm.s32 @!p0 $0x1C01  }
0xb8: {  	[timem:s3], [sflag:s2] =	dma.local @!p0 [hbm:s0], s1  }
0xb9: {  	s0 =	simm.s32 @!p0 $0x1  }
0xba: {  	_ =	swait.ge @!p0 [sflag:s0], s1  }
0xbb: {  	s1 =	ssub.s32 @!p0 $0x0, s1;
	[sflag:s0] =	ssyncset.done @!p0 $0x0  }
0xbc: {  	[sflag:s0] =	ssyncadd.s32 @!p0 s1  }
0xbd: {  	[bflag:$0x3] =	sbarrier.arrive $0xFFFF  }
0xbe: {  	_ =	shalt  }

</sc_bundles>
